<compile_context>
chip_gen: v7x
topology: tpu7x:2x2x1
jax: 0.10.2.dev20260603
libtpu: 0.0.44.dev20260713+nightly
codegen_flags: <defaults>
</compile_context>

<pallas_src>
import jax
import jax.numpy as jnp
from jax import lax
from jax.experimental import pallas as pl
from jax.experimental.pallas import tpu as pltpu
from jax.experimental.pallas import tpu_sc as plsc

VOCAB = 1000000
EMBED = 32
BATCH = 16384

NUM_CORES = 2
NUM_SUBCORES = 16
NUM_WORKERS = NUM_CORES * NUM_SUBCORES
B_PER_W = BATCH // NUM_WORKERS
PASS_ROWS = 256
NPASS = B_PER_W // PASS_ROWS
PGROUPS = PASS_ROWS // 16


def _sc_body(x_hbm, t_hbm, wu_hbm, wv_hbm, out_hbm,
             xidx, tidx, urows, vrows, outv, sem_u, sem_v):
    c = lax.axis_index("c")
    s = lax.axis_index("s")
    wid = s * NUM_CORES + c
    base = wid * B_PER_W

    pltpu.sync_copy(x_hbm.at[pl.ds(base, B_PER_W)], xidx)
    pltpu.sync_copy(t_hbm.at[pl.ds(base, B_PER_W)], tidx)

    lane = lax.iota(jnp.int32, 16)
    perms = {st: lane ^ st for st in (1, 2, 4, 8)}
    masks = {st: (lane & st) != 0 for st in (1, 2, 4, 8)}

    def pass_body(p, carry):
        poff = p * PASS_ROWS

        def fire_body(g, carry):
            xv = xidx[pl.ds(poff + g * 16, 16)]
            tv = tidx[pl.ds(poff + g * 16, 16)]
            for j in range(16):
                row = g * 16 + j
                pltpu.async_copy(wu_hbm.at[pl.ds(xv[j], 1), :],
                                 urows.at[pl.ds(row, 1), :], sem_u)
                pltpu.async_copy(wv_hbm.at[pl.ds(tv[j], 1), :],
                                 vrows.at[pl.ds(row, 1), :], sem_v)
            return carry

        lax.fori_loop(0, PGROUPS, fire_body, 0)

        pltpu.make_async_copy(wu_hbm.at[pl.ds(0, PASS_ROWS), :],
                              urows, sem_u).wait()
        pltpu.make_async_copy(wv_hbm.at[pl.ds(0, PASS_ROWS), :],
                              vrows, sem_v).wait()

        def group_body(g, carry):
            vecs = []
            for i in range(16):
                row = g * 16 + i
                u0 = urows[row, pl.ds(0, 16)]
                u1 = urows[row, pl.ds(16, 16)]
                v0 = vrows[row, pl.ds(0, 16)]
                v1 = vrows[row, pl.ds(16, 16)]
                vecs.append(u0 * v0 + u1 * v1)
            for st in (1, 2, 4, 8):
                nxt = []
                for k in range(len(vecs) // 2):
                    xk, yk = vecs[2 * k], vecs[2 * k + 1]
                    dx = xk + xk.at[perms[st]].get(mode="promise_in_bounds")
                    dy = yk + yk.at[perms[st]].get(mode="promise_in_bounds")
                    nxt.append(jnp.where(masks[st], dy, dx))
                vecs = nxt
            outv[pl.ds(poff + g * 16, 16)] = vecs[0]
            return carry

        lax.fori_loop(0, PGROUPS, group_body, 0)
        return carry

    lax.fori_loop(0, NPASS, pass_body, 0)

    pltpu.sync_copy(outv, out_hbm.at[pl.ds(base, B_PER_W)])


@jax.jit
def _run(x, t, W_u, W_v):
    mesh = plsc.VectorSubcoreMesh(core_axis_name="c", subcore_axis_name="s")
    kfn = pl.kernel(
        _sc_body,
        out_type=jax.ShapeDtypeStruct((BATCH,), jnp.float32),
        mesh=mesh,
        scratch_types=[
            pltpu.VMEM((B_PER_W,), jnp.int32),
            pltpu.VMEM((B_PER_W,), jnp.int32),
            pltpu.VMEM((PASS_ROWS, EMBED), jnp.float32),
            pltpu.VMEM((PASS_ROWS, EMBED), jnp.float32),
            pltpu.VMEM((B_PER_W,), jnp.float32),
            pltpu.SemaphoreType.DMA,
            pltpu.SemaphoreType.DMA,
        ],
        compiler_params=pltpu.CompilerParams(needs_layout_passes=False),
    )
    return kfn(x, t, W_u, W_v)


def kernel(x, t, W_u, W_v):
    return _run(x.astype(jnp.int32), t.astype(jnp.int32), W_u, W_v)

# --- scband reference (transcript-rebuilt; emitter-appended) ---
"""Pipeline reference for scband-skip-gram-negative-sampling-20959440404494 (READ-ONLY COPY).

The authoritative reference and input builder live on the scoring server;
editing this copy changes nothing except your own understanding.
"""

import jax, jax.numpy as jnp
import numpy as np

VOCAB = 1000000
EMBED = 32
BATCH = 16384

def setup_inputs(seed: int = 0) -> dict:
    key = jax.random.key(seed)
    k1, k2, k3, k4 = jax.random.split(key, 4)
    x = jax.random.randint(k1, (BATCH,), 0, VOCAB, dtype=jnp.int64 if jax.config.jax_enable_x64 else jnp.int32)
    t = jax.random.randint(k2, (BATCH,), 0, VOCAB, dtype=jnp.int64 if jax.config.jax_enable_x64 else jnp.int32)
    W_u = jax.random.normal(k3, (VOCAB, EMBED), dtype=jnp.float32)
    W_v = jax.random.normal(k4, (VOCAB, EMBED), dtype=jnp.float32)
    return {"x": x, "t": t, "W_u": W_u, "W_v": W_v}

def reference(x, t, W_u, W_v):
    # embedding lookups (gather)
    eu = jnp.take(W_u, x, axis=0)          # [B, d]
    ev = jnp.take(W_v, t, axis=0)          # [B, d]
    # bmm of [B,1,d] x [B,d,1] -> [B,1,1] -> squeeze -> [B]
    logits = jnp.sum(eu * ev, axis=-1)
    return logits

if __name__ == "__main__":
    import jax
    _d = setup_inputs()
    print(jax.jit(kernel)(*tuple(_d.values())))

</pallas_src>

<mosaic_0001>
#map = affine_map<(d0, d1) -> (0)>
#map1 = affine_map<(d0, d1) -> (0, 0)>
module attributes {stable_mosaic.version = 14 : i64} {
  func.func @_sc_body(%arg0: i32, %arg1: i32, %arg2: memref<16384xi32, #tpu.memory_space<hbm>>, %arg3: memref<16384xi32, #tpu.memory_space<hbm>>, %arg4: memref<1000000x32xf32, #tpu.memory_space<hbm>>, %arg5: memref<1000000x32xf32, #tpu.memory_space<hbm>>, %arg6: memref<16384xf32, #tpu.memory_space<hbm>>, %arg7: memref<512xi32, #tpu.memory_space<vmem>>, %arg8: memref<512xi32, #tpu.memory_space<vmem>>, %arg9: memref<256x32xf32, #tpu.memory_space<vmem>>, %arg10: memref<256x32xf32, #tpu.memory_space<vmem>>, %arg11: memref<512xf32, #tpu.memory_space<vmem>>, %arg12: memref<!tpu.dma_semaphore, #tpu.memory_space<semaphore_mem>>, %arg13: memref<!tpu.dma_semaphore, #tpu.memory_space<semaphore_mem>>) attributes {dimension_semantics = [#tpu.dimension_semantics<core_parallel>, #tpu.dimension_semantics<subcore_parallel>], iteration_bounds = array<i64: 2, 16>, scalar_prefetch = 0 : i64, scratch_operands = 7 : i64, tpu.core_type = #tpu.core_type<sc_vector_subcore>, window_params = [{transform_indices = #map}, {transform_indices = #map}, {transform_indices = #map1}, {transform_indices = #map1}, {transform_indices = #map}]} {
    %mul3A = arith.constant 2 : i32
    %mul3A_0 = arith.muli %arg1, %mul3A : i32
    %add3A = arith.addi %mul3A_0, %arg0 : i32
    %mul3A_1 = arith.constant 512 : i32
    %mul3A_2 = arith.muli %add3A, %mul3A_1 : i32
    "tpu.region"() ({
      %run_scoped3A = tpu.sem_alloc : memref<!tpu.dma_semaphore, #tpu.memory_space<semaphore_mem>>
      %dma_start3A = tpu.memref_slice %arg2[%mul3A_2] : memref<16384xi32, #tpu.memory_space<hbm>> -> memref<512xi32, #tpu.memory_space<hbm>>
      %dma_start3A_41 = tpu.memref_slice %arg2[%mul3A_2] : memref<16384xi32, #tpu.memory_space<hbm>> -> memref<512xi32, #tpu.memory_space<hbm>>
      tpu.enqueue_dma source(%dma_start3A_41 : memref<512xi32, #tpu.memory_space<hbm>>) target(%arg7 : memref<512xi32, #tpu.memory_space<vmem>>) target_semaphore(%run_scoped3A : memref<!tpu.dma_semaphore, #tpu.memory_space<semaphore_mem>>)
      %dma_wait3A = tpu.memref_slice %arg2[%mul3A_2] : memref<16384xi32, #tpu.memory_space<hbm>> -> memref<512xi32, #tpu.memory_space<hbm>>
      %dma_wait3A_42 = tpu.memref_slice %arg2[%mul3A_2] : memref<16384xi32, #tpu.memory_space<hbm>> -> memref<512xi32, #tpu.memory_space<hbm>>
      tpu.wait_dma2 semaphore(%run_scoped3A : memref<!tpu.dma_semaphore, #tpu.memory_space<semaphore_mem>>) src(%dma_wait3A_42 : memref<512xi32, #tpu.memory_space<hbm>>) dst(%arg7 : memref<512xi32, #tpu.memory_space<vmem>>)
      tpu.yield
    }) : () -> ()
    "tpu.region"() ({
      %run_scoped3A = tpu.sem_alloc : memref<!tpu.dma_semaphore, #tpu.memory_space<semaphore_mem>>
      %dma_start3A = tpu.memref_slice %arg3[%mul3A_2] : memref<16384xi32, #tpu.memory_space<hbm>> -> memref<512xi32, #tpu.memory_space<hbm>>
      %dma_start3A_41 = tpu.memref_slice %arg3[%mul3A_2] : memref<16384xi32, #tpu.memory_space<hbm>> -> memref<512xi32, #tpu.memory_space<hbm>>
      tpu.enqueue_dma source(%dma_start3A_41 : memref<512xi32, #tpu.memory_space<hbm>>) target(%arg8 : memref<512xi32, #tpu.memory_space<vmem>>) target_semaphore(%run_scoped3A : memref<!tpu.dma_semaphore, #tpu.memory_space<semaphore_mem>>)
      %dma_wait3A = tpu.memref_slice %arg3[%mul3A_2] : memref<16384xi32, #tpu.memory_space<hbm>> -> memref<512xi32, #tpu.memory_space<hbm>>
      %dma_wait3A_42 = tpu.memref_slice %arg3[%mul3A_2] : memref<16384xi32, #tpu.memory_space<hbm>> -> memref<512xi32, #tpu.memory_space<hbm>>
      tpu.wait_dma2 semaphore(%run_scoped3A : memref<!tpu.dma_semaphore, #tpu.memory_space<semaphore_mem>>) src(%dma_wait3A_42 : memref<512xi32, #tpu.memory_space<hbm>>) dst(%arg8 : memref<512xi32, #tpu.memory_space<vmem>>)
      tpu.yield
    }) : () -> ()
    %iota3A = tpu.iota {dimensions = array<i32: 0>} : vector<16xi32>
    %xor3A = arith.constant 1 : i32
    %xor3A_3 = vector.broadcast %xor3A : i32 to vector<16xi32>
    %xor3A_4 = arith.xori %iota3A, %xor3A_3 : vector<16xi32>
    %xor3A_5 = arith.constant 2 : i32
    %xor3A_6 = vector.broadcast %xor3A_5 : i32 to vector<16xi32>
    %xor3A_7 = arith.xori %iota3A, %xor3A_6 : vector<16xi32>
    %xor3A_8 = arith.constant 4 : i32
    %xor3A_9 = vector.broadcast %xor3A_8 : i32 to vector<16xi32>
    %xor3A_10 = arith.xori %iota3A, %xor3A_9 : vector<16xi32>
    %xor3A_11 = arith.constant 8 : i32
    %xor3A_12 = vector.broadcast %xor3A_11 : i32 to vector<16xi32>
    %xor3A_13 = arith.xori %iota3A, %xor3A_12 : vector<16xi32>
    %and3A = arith.constant 1 : i32
    %and3A_14 = vector.broadcast %and3A : i32 to vector<16xi32>
    %and3A_15 = arith.andi %iota3A, %and3A_14 : vector<16xi32>
    %ne3A = arith.constant 0 : i32
    %ne3A_16 = vector.broadcast %ne3A : i32 to vector<16xi32>
    %ne3A_17 = arith.cmpi ne, %and3A_15, %ne3A_16 : vector<16xi32>
    %and3A_18 = arith.constant 2 : i32
    %and3A_19 = vector.broadcast %and3A_18 : i32 to vector<16xi32>
    %and3A_20 = arith.andi %iota3A, %and3A_19 : vector<16xi32>
    %ne3A_21 = arith.constant 0 : i32
    %ne3A_22 = vector.broadcast %ne3A_21 : i32 to vector<16xi32>
    %ne3A_23 = arith.cmpi ne, %and3A_20, %ne3A_22 : vector<16xi32>
    %and3A_24 = arith.constant 4 : i32
    %and3A_25 = vector.broadcast %and3A_24 : i32 to vector<16xi32>
    %and3A_26 = arith.andi %iota3A, %and3A_25 : vector<16xi32>
    %ne3A_27 = arith.constant 0 : i32
    %ne3A_28 = vector.broadcast %ne3A_27 : i32 to vector<16xi32>
    %ne3A_29 = arith.cmpi ne, %and3A_26, %ne3A_28 : vector<16xi32>
    %and3A_30 = arith.constant 8 : i32
    %and3A_31 = vector.broadcast %and3A_30 : i32 to vector<16xi32>
    %and3A_32 = arith.andi %iota3A, %and3A_31 : vector<16xi32>
    %ne3A_33 = arith.constant 0 : i32
    %ne3A_34 = vector.broadcast %ne3A_33 : i32 to vector<16xi32>
    %ne3A_35 = arith.cmpi ne, %and3A_32, %ne3A_34 : vector<16xi32>
    %scan3A = arith.constant 0 : i32
    %scan3A_36 = arith.constant 0 : i32
    %scan3A_37 = arith.constant 2 : i32
    %scan3A_38 = arith.addi %scan3A_36, %scan3A_37 : i32
    %scan3A_39 = arith.constant 1 : i32
    scf.for %scan3A_41 = %scan3A_36 to %scan3A_38 step %scan3A_39  : i32 {
      %mul3A_42 = arith.constant 256 : i32
      %mul3A_43 = arith.muli %scan3A_41, %mul3A_42 : i32
      %scan3A_44 = arith.constant 0 : i32
      %scan3A_45 = arith.constant 0 : i32
      %scan3A_46 = arith.constant 16 : i32
      %scan3A_47 = arith.addi %scan3A_45, %scan3A_46 : i32
      %scan3A_48 = arith.constant 1 : i32
      scf.for %scan3A_67 = %scan3A_45 to %scan3A_47 step %scan3A_48  : i32 {
        %mul3A_68 = arith.constant 16 : i32
        %mul3A_69 = arith.muli %scan3A_67, %mul3A_68 : i32
        %add3A_70 = arith.addi %mul3A_43, %mul3A_69 : i32
        %get3A = arith.index_cast %add3A_70 : i32 to index
        %get3A_71 = tpu.vector_load %arg7[%get3A] {strides = array<i32>} : memref<512xi32, #tpu.memory_space<vmem>>, vector<16xi32>,
        %mul3A_72 = arith.constant 16 : i32
        %mul3A_73 = arith.muli %scan3A_67, %mul3A_72 : i32
        %add3A_74 = arith.addi %mul3A_43, %mul3A_73 : i32
        %get3A_75 = arith.index_cast %add3A_74 : i32 to index
        %get3A_76 = tpu.vector_load %arg8[%get3A_75] {strides = array<i32>} : memref<512xi32, #tpu.memory_space<vmem>>, vector<16xi32>,
        %mul3A_77 = arith.constant 16 : i32
        %mul3A_78 = arith.muli %scan3A_67, %mul3A_77 : i32
        %add3A_79 = arith.constant 0 : i32
        %add3A_80 = arith.addi %mul3A_78, %add3A_79 : i32
        %slice3A = vector.extract_strided_slice %get3A_71 {offsets = [0], sizes = [1], strides = [1]} : vector<16xi32> to vector<1xi32>
        %squeeze3A = vector.extract %slice3A[0] : i32 from vector<1xi32>
        %dma_start3A = arith.constant 0 : i32
        %dma_start3A_81 = tpu.memref_slice %arg9[%add3A_80, %dma_start3A] : memref<256x32xf32, #tpu.memory_space<vmem>> -> memref<1x32xf32, #tpu.memory_space<vmem>>
        %dma_start3A_82 = arith.constant 0 : i32
        %dma_start3A_83 = tpu.memref_slice %arg4[%squeeze3A, %dma_start3A_82] : memref<1000000x32xf32, #tpu.memory_space<hbm>> -> memref<1x32xf32, #tpu.memory_space<hbm>>
        %dma_start3A_84 = arith.constant 0 : i32
        %dma_start3A_85 = tpu.memref_slice %arg9[%add3A_80, %dma_start3A_84] : memref<256x32xf32, #tpu.memory_space<vmem>> -> memref<1x32xf32, #tpu.memory_space<vmem>>
        %dma_start3A_86 = arith.constant 0 : i32
        %dma_start3A_87 = tpu.memref_slice %arg4[%squeeze3A, %dma_start3A_86] : memref<1000000x32xf32, #tpu.memory_space<hbm>> -> memref<1x32xf32, #tpu.memory_space<hbm>>
        tpu.enqueue_dma source(%dma_start3A_87 : memref<1x32xf32, #tpu.memory_space<hbm>>) target(%dma_start3A_85 : memref<1x32xf32, #tpu.memory_space<vmem>>) target_semaphore(%arg12 : memref<!tpu.dma_semaphore, #tpu.memory_space<semaphore_mem>>)
        %slice3A_88 = vector.extract_strided_slice %get3A_76 {offsets = [0], sizes = [1], strides = [1]} : vector<16xi32> to vector<1xi32>
        %squeeze3A_89 = vector.extract %slice3A_88[0] : i32 from vector<1xi32>
        %dma_start3A_90 = arith.constant 0 : i32
        %dma_start3A_91 = tpu.memref_slice %arg10[%add3A_80, %dma_start3A_90] : memref<256x32xf32, #tpu.memory_space<vmem>> -> memref<1x32xf32, #tpu.memory_space<vmem>>
        %dma_start3A_92 = arith.constant 0 : i32
        %dma_start3A_93 = tpu.memref_slice %arg5[%squeeze3A_89, %dma_start3A_92] : memref<1000000x32xf32, #tpu.memory_space<hbm>> -> memref<1x32xf32, #tpu.memory_space<hbm>>
        %dma_start3A_94 = arith.constant 0 : i32
        %dma_start3A_95 = tpu.memref_slice %arg10[%add3A_80, %dma_start3A_94] : memref<256x32xf32, #tpu.memory_space<vmem>> -> memref<1x32xf32, #tpu.memory_space<vmem>>
        %dma_start3A_96 = arith.constant 0 : i32
        %dma_start3A_97 = tpu.memref_slice %arg5[%squeeze3A_89, %dma_start3A_96] : memref<1000000x32xf32, #tpu.memory_space<hbm>> -> memref<1x32xf32, #tpu.memory_space<hbm>>
        tpu.enqueue_dma source(%dma_start3A_97 : memref<1x32xf32, #tpu.memory_space<hbm>>) target(%dma_start3A_95 : memref<1x32xf32, #tpu.memory_space<vmem>>) target_semaphore(%arg13 : memref<!tpu.dma_semaphore, #tpu.memory_space<semaphore_mem>>)
        %mul3A_98 = arith.constant 16 : i32
        %mul3A_99 = arith.muli %scan3A_67, %mul3A_98 : i32
        %add3A_100 = arith.constant 1 : i32
        %add3A_101 = arith.addi %mul3A_99, %add3A_100 : i32
        %slice3A_102 = vector.extract_strided_slice %get3A_71 {offsets = [1], sizes = [1], strides = [1]} : vector<16xi32> to vector<1xi32>
        %squeeze3A_103 = vector.extract %slice3A_102[0] : i32 from vector<1xi32>
        %dma_start3A_104 = arith.constant 0 : i32
        %dma_start3A_105 = tpu.memref_slice %arg9[%add3A_101, %dma_start3A_104] : memref<256x32xf32, #tpu.memory_space<vmem>> -> memref<1x32xf32, #tpu.memory_space<vmem>>
        %dma_start3A_106 = arith.constant 0 : i32
        %dma_start3A_107 = tpu.memref_slice %arg4[%squeeze3A_103, %dma_start3A_106] : memref<1000000x32xf32, #tpu.memory_space<hbm>> -> memref<1x32xf32, #tpu.memory_space<hbm>>
        %dma_start3A_108 = arith.constant 0 : i32
        %dma_start3A_109 = tpu.memref_slice %arg9[%add3A_101, %dma_start3A_108] : memref<256x32xf32, #tpu.memory_space<vmem>> -> memref<1x32xf32, #tpu.memory_space<vmem>>
        %dma_start3A_110 = arith.constant 0 : i32
        %dma_start3A_111 = tpu.memref_slice %arg4[%squeeze3A_103, %dma_start3A_110] : memref<1000000x32xf32, #tpu.memory_space<hbm>> -> memref<1x32xf32, #tpu.memory_space<hbm>>
        tpu.enqueue_dma source(%dma_start3A_111 : memref<1x32xf32, #tpu.memory_space<hbm>>) target(%dma_start3A_109 : memref<1x32xf32, #tpu.memory_space<vmem>>) target_semaphore(%arg12 : memref<!tpu.dma_semaphore, #tpu.memory_space<semaphore_mem>>)
        %slice3A_112 = vector.extract_strided_slice %get3A_76 {offsets = [1], sizes = [1], strides = [1]} : vector<16xi32> to vector<1xi32>
        %squeeze3A_113 = vector.extract %slice3A_112[0] : i32 from vector<1xi32>
        %dma_start3A_114 = arith.constant 0 : i32
        %dma_start3A_115 = tpu.memref_slice %arg10[%add3A_101, %dma_start3A_114] : memref<256x32xf32, #tpu.memory_space<vmem>> -> memref<1x32xf32, #tpu.memory_space<vmem>>
        %dma_start3A_116 = arith.constant 0 : i32
        %dma_start3A_117 = tpu.memref_slice %arg5[%squeeze3A_113, %dma_start3A_116] : memref<1000000x32xf32, #tpu.memory_space<hbm>> -> memref<1x32xf32, #tpu.memory_space<hbm>>
        %dma_start3A_118 = arith.constant 0 : i32
        %dma_start3A_119 = tpu.memref_slice %arg10[%add3A_101, %dma_start3A_118] : memref<256x32xf32, #tpu.memory_space<vmem>> -> memref<1x32xf32, #tpu.memory_space<vmem>>
        %dma_start3A_120 = arith.constant 0 : i32
        %dma_start3A_121 = tpu.memref_slice %arg5[%squeeze3A_113, %dma_start3A_120] : memref<1000000x32xf32, #tpu.memory_space<hbm>> -> memref<1x32xf32, #tpu.memory_space<hbm>>
        tpu.enqueue_dma source(%dma_start3A_121 : memref<1x32xf32, #tpu.memory_space<hbm>>) target(%dma_start3A_119 : memref<1x32xf32, #tpu.memory_space<vmem>>) target_semaphore(%arg13 : memref<!tpu.dma_semaphore, #tpu.memory_space<semaphore_mem>>)
        %mul3A_122 = arith.constant 16 : i32
        %mul3A_123 = arith.muli %scan3A_67, %mul3A_122 : i32
        %add3A_124 = arith.constant 2 : i32
        %add3A_125 = arith.addi %mul3A_123, %add3A_124 : i32
        %slice3A_126 = vector.extract_strided_slice %get3A_71 {offsets = [2], sizes = [1], strides = [1]} : vector<16xi32> to vector<1xi32>
        %squeeze3A_127 = vector.extract %slice3A_126[0] : i32 from vector<1xi32>
        %dma_start3A_128 = arith.constant 0 : i32
        %dma_start3A_129 = tpu.memref_slice %arg9[%add3A_125, %dma_start3A_128] : memref<256x32xf32, #tpu.memory_space<vmem>> -> memref<1x32xf32, #tpu.memory_space<vmem>>
        %dma_start3A_130 = arith.constant 0 : i32
        %dma_start3A_131 = tpu.memref_slice %arg4[%squeeze3A_127, %dma_start3A_130] : memref<1000000x32xf32, #tpu.memory_space<hbm>> -> memref<1x32xf32, #tpu.memory_space<hbm>>
        %dma_start3A_132 = arith.constant 0 : i32
        %dma_start3A_133 = tpu.memref_slice %arg9[%add3A_125, %dma_start3A_132] : memref<256x32xf32, #tpu.memory_space<vmem>> -> memref<1x32xf32, #tpu.memory_space<vmem>>
        %dma_start3A_134 = arith.constant 0 : i32
        %dma_start3A_135 = tpu.memref_slice %arg4[%squeeze3A_127, %dma_start3A_134] : memref<1000000x32xf32, #tpu.memory_space<hbm>> -> memref<1x32xf32, #tpu.memory_space<hbm>>
        tpu.enqueue_dma source(%dma_start3A_135 : memref<1x32xf32, #tpu.memory_space<hbm>>) target(%dma_start3A_133 : memref<1x32xf32, #tpu.memory_space<vmem>>) target_semaphore(%arg12 : memref<!tpu.dma_semaphore, #tpu.memory_space<semaphore_mem>>)
        %slice3A_136 = vector.extract_strided_slice %get3A_76 {offsets = [2], sizes = [1], strides = [1]} : vector<16xi32> to vector<1xi32>
        %squeeze3A_137 = vector.extract %slice3A_136[0] : i32 from vector<1xi32>
        %dma_start3A_138 = arith.constant 0 : i32
        %dma_start3A_139 = tpu.memref_slice %arg10[%add3A_125, %dma_start3A_138] : memref<256x32xf32, #tpu.memory_space<vmem>> -> memref<1x32xf32, #tpu.memory_space<vmem>>
        %dma_start3A_140 = arith.constant 0 : i32
        %dma_start3A_141 = tpu.memref_slice %arg5[%squeeze3A_137, %dma_start3A_140] : memref<1000000x32xf32, #tpu.memory_space<hbm>> -> memref<1x32xf32, #tpu.memory_space<hbm>>
        %dma_start3A_142 = arith.constant 0 : i32
        %dma_start3A_143 = tpu.memref_slice %arg10[%add3A_125, %dma_start3A_142] : memref<256x32xf32, #tpu.memory_space<vmem>> -> memref<1x32xf32, #tpu.memory_space<vmem>>
        %dma_start3A_144 = arith.constant 0 : i32
        %dma_start3A_145 = tpu.memref_slice %arg5[%squeeze3A_137, %dma_start3A_144] : memref<1000000x32xf32, #tpu.memory_space<hbm>> -> memref<1x32xf32, #tpu.memory_space<hbm>>
        tpu.enqueue_dma source(%dma_start3A_145 : memref<1x32xf32, #tpu.memory_space<hbm>>) target(%dma_start3A_143 : memref<1x32xf32, #tpu.memory_space<vmem>>) target_semaphore(%arg13 : memref<!tpu.dma_semaphore, #tpu.memory_space<semaphore_mem>>)
        %mul3A_146 = arith.constant 16 : i32
        %mul3A_147 = arith.muli %scan3A_67, %mul3A_146 : i32
        %add3A_148 = arith.constant 3 : i32
        %add3A_149 = arith.addi %mul3A_147, %add3A_148 : i32
        %slice3A_150 = vector.extract_strided_slice %get3A_71 {offsets = [3], sizes = [1], strides = [1]} : vector<16xi32> to vector<1xi32>
        %squeeze3A_151 = vector.extract %slice3A_150[0] : i32 from vector<1xi32>
        %dma_start3A_152 = arith.constant 0 : i32
        %dma_start3A_153 = tpu.memref_slice %arg9[%add3A_149, %dma_start3A_152] : memref<256x32xf32, #tpu.memory_space<vmem>> -> memref<1x32xf32, #tpu.memory_space<vmem>>
        %dma_start3A_154 = arith.constant 0 : i32
        %dma_start3A_155 = tpu.memref_slice %arg4[%squeeze3A_151, %dma_start3A_154] : memref<1000000x32xf32, #tpu.memory_space<hbm>> -> memref<1x32xf32, #tpu.memory_space<hbm>>
        %dma_start3A_156 = arith.constant 0 : i32
        %dma_start3A_157 = tpu.memref_slice %arg9[%add3A_149, %dma_start3A_156] : memref<256x32xf32, #tpu.memory_space<vmem>> -> memref<1x32xf32, #tpu.memory_space<vmem>>
        %dma_start3A_158 = arith.constant 0 : i32
        %dma_start3A_159 = tpu.memref_slice %arg4[%squeeze3A_151, %dma_start3A_158] : memref<1000000x32xf32, #tpu.memory_space<hbm>> -> memref<1x32xf32, #tpu.memory_space<hbm>>
        tpu.enqueue_dma source(%dma_start3A_159 : memref<1x32xf32, #tpu.memory_space<hbm>>) target(%dma_start3A_157 : memref<1x32xf32, #tpu.memory_space<vmem>>) target_semaphore(%arg12 : memref<!tpu.dma_semaphore, #tpu.memory_space<semaphore_mem>>)
        %slice3A_160 = vector.extract_strided_slice %get3A_76 {offsets = [3], sizes = [1], strides = [1]} : vector<16xi32> to vector<1xi32>
        %squeeze3A_161 = vector.extract %slice3A_160[0] : i32 from vector<1xi32>
        %dma_start3A_162 = arith.constant 0 : i32
        %dma_start3A_163 = tpu.memref_slice %arg10[%add3A_149, %dma_start3A_162] : memref<256x32xf32, #tpu.memory_space<vmem>> -> memref<1x32xf32, #tpu.memory_space<vmem>>
        %dma_start3A_164 = arith.constant 0 : i32
        %dma_start3A_165 = tpu.memref_slice %arg5[%squeeze3A_161, %dma_start3A_164] : memref<1000000x32xf32, #tpu.memory_space<hbm>> -> memref<1x32xf32, #tpu.memory_space<hbm>>
        %dma_start3A_166 = arith.constant 0 : i32
        %dma_start3A_167 = tpu.memref_slice %arg10[%add3A_149, %dma_start3A_166] : memref<256x32xf32, #tpu.memory_space<vmem>> -> memref<1x32xf32, #tpu.memory_space<vmem>>
        %dma_start3A_168 = arith.constant 0 : i32
        %dma_start3A_169 = tpu.memref_slice %arg5[%squeeze3A_161, %dma_start3A_168] : memref<1000000x32xf32, #tpu.memory_space<hbm>> -> memref<1x32xf32, #tpu.memory_space<hbm>>
        tpu.enqueue_dma source(%dma_start3A_169 : memref<1x32xf32, #tpu.memory_space<hbm>>) target(%dma_start3A_167 : memref<1x32xf32, #tpu.memory_space<vmem>>) target_semaphore(%arg13 : memref<!tpu.dma_semaphore, #tpu.memory_space<semaphore_mem>>)
        %mul3A_170 = arith.constant 16 : i32
        %mul3A_171 = arith.muli %scan3A_67, %mul3A_170 : i32
        %add3A_172 = arith.constant 4 : i32
        %add3A_173 = arith.addi %mul3A_171, %add3A_172 : i32
        %slice3A_174 = vector.extract_strided_slice %get3A_71 {offsets = [4], sizes = [1], strides = [1]} : vector<16xi32> to vector<1xi32>
        %squeeze3A_175 = vector.extract %slice3A_174[0] : i32 from vector<1xi32>
        %dma_start3A_176 = arith.constant 0 : i32
        %dma_start3A_177 = tpu.memref_slice %arg9[%add3A_173, %dma_start3A_176] : memref<256x32xf32, #tpu.memory_space<vmem>> -> memref<1x32xf32, #tpu.memory_space<vmem>>
        %dma_start3A_178 = arith.constant 0 : i32
        %dma_start3A_179 = tpu.memref_slice %arg4[%squeeze3A_175, %dma_start3A_178] : memref<1000000x32xf32, #tpu.memory_space<hbm>> -> memref<1x32xf32, #tpu.memory_space<hbm>>
        %dma_start3A_180 = arith.constant 0 : i32
        %dma_start3A_181 = tpu.memref_slice %arg9[%add3A_173, %dma_start3A_180] : memref<256x32xf32, #tpu.memory_space<vmem>> -> memref<1x32xf32, #tpu.memory_space<vmem>>
        %dma_start3A_182 = arith.constant 0 : i32
        %dma_start3A_183 = tpu.memref_slice %arg4[%squeeze3A_175, %dma_start3A_182] : memref<1000000x32xf32, #tpu.memory_space<hbm>> -> memref<1x32xf32, #tpu.memory_space<hbm>>
        tpu.enqueue_dma source(%dma_start3A_183 : memref<1x32xf32, #tpu.memory_space<hbm>>) target(%dma_start3A_181 : memref<1x32xf32, #tpu.memory_space<vmem>>) target_semaphore(%arg12 : memref<!tpu.dma_semaphore, #tpu.memory_space<semaphore_mem>>)
        %slice3A_184 = vector.extract_strided_slice %get3A_76 {offsets = [4], sizes = [1], strides = [1]} : vector<16xi32> to vector<1xi32>
        %squeeze3A_185 = vector.extract %slice3A_184[0] : i32 from vector<1xi32>
        %dma_start3A_186 = arith.constant 0 : i32
        %dma_start3A_187 = tpu.memref_slice %arg10[%add3A_173, %dma_start3A_186] : memref<256x32xf32, #tpu.memory_space<vmem>> -> memref<1x32xf32, #tpu.memory_space<vmem>>
        %dma_start3A_188 = arith.constant 0 : i32
        %dma_start3A_189 = tpu.memref_slice %arg5[%squeeze3A_185, %dma_start3A_188] : memref<1000000x32xf32, #tpu.memory_space<hbm>> -> memref<1x32xf32, #tpu.memory_space<hbm>>
        %dma_start3A_190 = arith.constant 0 : i32
        %dma_start3A_191 = tpu.memref_slice %arg10[%add3A_173, %dma_start3A_190] : memref<256x32xf32, #tpu.memory_space<vmem>> -> memref<1x32xf32, #tpu.memory_space<vmem>>
        %dma_start3A_192 = arith.constant 0 : i32
        %dma_start3A_193 = tpu.memref_slice %arg5[%squeeze3A_185, %dma_start3A_192] : memref<1000000x32xf32, #tpu.memory_space<hbm>> -> memref<1x32xf32, #tpu.memory_space<hbm>>
        tpu.enqueue_dma source(%dma_start3A_193 : memref<1x32xf32, #tpu.memory_space<hbm>>) target(%dma_start3A_191 : memref<1x32xf32, #tpu.memory_space<vmem>>) target_semaphore(%arg13 : memref<!tpu.dma_semaphore, #tpu.memory_space<semaphore_mem>>)
        %mul3A_194 = arith.constant 16 : i32
        %mul3A_195 = arith.muli %scan3A_67, %mul3A_194 : i32
        %add3A_196 = arith.constant 5 : i32
        %add3A_197 = arith.addi %mul3A_195, %add3A_196 : i32
        %slice3A_198 = vector.extract_strided_slice %get3A_71 {offsets = [5], sizes = [1], strides = [1]} : vector<16xi32> to vector<1xi32>
        %squeeze3A_199 = vector.extract %slice3A_198[0] : i32 from vector<1xi32>
        %dma_start3A_200 = arith.constant 0 : i32
        %dma_start3A_201 = tpu.memref_slice %arg9[%add3A_197, %dma_start3A_200] : memref<256x32xf32, #tpu.memory_space<vmem>> -> memref<1x32xf32, #tpu.memory_space<vmem>>
        %dma_start3A_202 = arith.constant 0 : i32
        %dma_start3A_203 = tpu.memref_slice %arg4[%squeeze3A_199, %dma_start3A_202] : memref<1000000x32xf32, #tpu.memory_space<hbm>> -> memref<1x32xf32, #tpu.memory_space<hbm>>
        %dma_start3A_204 = arith.constant 0 : i32
        %dma_start3A_205 = tpu.memref_slice %arg9[%add3A_197, %dma_start3A_204] : memref<256x32xf32, #tpu.memory_space<vmem>> -> memref<1x32xf32, #tpu.memory_space<vmem>>
        %dma_start3A_206 = arith.constant 0 : i32
        %dma_start3A_207 = tpu.memref_slice %arg4[%squeeze3A_199, %dma_start3A_206] : memref<1000000x32xf32, #tpu.memory_space<hbm>> -> memref<1x32xf32, #tpu.memory_space<hbm>>
        tpu.enqueue_dma source(%dma_start3A_207 : memref<1x32xf32, #tpu.memory_space<hbm>>) target(%dma_start3A_205 : memref<1x32xf32, #tpu.memory_space<vmem>>) target_semaphore(%arg12 : memref<!tpu.dma_semaphore, #tpu.memory_space<semaphore_mem>>)
        %slice3A_208 = vector.extract_strided_slice %get3A_76 {offsets = [5], sizes = [1], strides = [1]} : vector<16xi32> to vector<1xi32>
        %squeeze3A_209 = vector.extract %slice3A_208[0] : i32 from vector<1xi32>
        %dma_start3A_210 = arith.constant 0 : i32
        %dma_start3A_211 = tpu.memref_slice %arg10[%add3A_197, %dma_start3A_210] : memref<256x32xf32, #tpu.memory_space<vmem>> -> memref<1x32xf32, #tpu.memory_space<vmem>>
        %dma_start3A_212 = arith.constant 0 : i32
        %dma_start3A_213 = tpu.memref_slice %arg5[%squeeze3A_209, %dma_start3A_212] : memref<1000000x32xf32, #tpu.memory_space<hbm>> -> memref<1x32xf32, #tpu.memory_space<hbm>>
        %dma_start3A_214 = arith.constant 0 : i32
        %dma_start3A_215 = tpu.memref_slice %arg10[%add3A_197, %dma_start3A_214] : memref<256x32xf32, #tpu.memory_space<vmem>> -> memref<1x32xf32, #tpu.memory_space<vmem>>
        %dma_start3A_216 = arith.constant 0 : i32
        %dma_start3A_217 = tpu.memref_slice %arg5[%squeeze3A_209, %dma_start3A_216] : memref<1000000x32xf32, #tpu.memory_space<hbm>> -> memref<1x32xf32, #tpu.memory_space<hbm>>
        tpu.enqueue_dma source(%dma_start3A_217 : memref<1x32xf32, #tpu.memory_space<hbm>>) target(%dma_start3A_215 : memref<1x32xf32, #tpu.memory_space<vmem>>) target_semaphore(%arg13 : memref<!tpu.dma_semaphore, #tpu.memory_space<semaphore_mem>>)
        %mul3A_218 = arith.constant 16 : i32
        %mul3A_219 = arith.muli %scan3A_67, %mul3A_218 : i32
        %add3A_220 = arith.constant 6 : i32
        %add3A_221 = arith.addi %mul3A_219, %add3A_220 : i32
        %slice3A_222 = vector.extract_strided_slice %get3A_71 {offsets = [6], sizes = [1], strides = [1]} : vector<16xi32> to vector<1xi32>
        %squeeze3A_223 = vector.extract %slice3A_222[0] : i32 from vector<1xi32>
        %dma_start3A_224 = arith.constant 0 : i32
        %dma_start3A_225 = tpu.memref_slice %arg9[%add3A_221, %dma_start3A_224] : memref<256x32xf32, #tpu.memory_space<vmem>> -> memref<1x32xf32, #tpu.memory_space<vmem>>
        %dma_start3A_226 = arith.constant 0 : i32
        %dma_start3A_227 = tpu.memref_slice %arg4[%squeeze3A_223, %dma_start3A_226] : memref<1000000x32xf32, #tpu.memory_space<hbm>> -> memref<1x32xf32, #tpu.memory_space<hbm>>
        %dma_start3A_228 = arith.constant 0 : i32
        %dma_start3A_229 = tpu.memref_slice %arg9[%add3A_221, %dma_start3A_228] : memref<256x32xf32, #tpu.memory_space<vmem>> -> memref<1x32xf32, #tpu.memory_space<vmem>>
        %dma_start3A_230 = arith.constant 0 : i32
        %dma_start3A_231 = tpu.memref_slice %arg4[%squeeze3A_223, %dma_start3A_230] : memref<1000000x32xf32, #tpu.memory_space<hbm>> -> memref<1x32xf32, #tpu.memory_space<hbm>>
        tpu.enqueue_dma source(%dma_start3A_231 : memref<1x32xf32, #tpu.memory_space<hbm>>) target(%dma_start3A_229 : memref<1x32xf32, #tpu.memory_space<vmem>>) target_semaphore(%arg12 : memref<!tpu.dma_semaphore, #tpu.memory_space<semaphore_mem>>)
        %slice3A_232 = vector.extract_strided_slice %get3A_76 {offsets = [6], sizes = [1], strides = [1]} : vector<16xi32> to vector<1xi32>
        %squeeze3A_233 = vector.extract %slice3A_232[0] : i32 from vector<1xi32>
        %dma_start3A_234 = arith.constant 0 : i32
        %dma_start3A_235 = tpu.memref_slice %arg10[%add3A_221, %dma_start3A_234] : memref<256x32xf32, #tpu.memory_space<vmem>> -> memref<1x32xf32, #tpu.memory_space<vmem>>
        %dma_start3A_236 = arith.constant 0 : i32
        %dma_start3A_237 = tpu.memref_slice %arg5[%squeeze3A_233, %dma_start3A_236] : memref<1000000x32xf32, #tpu.memory_space<hbm>> -> memref<1x32xf32, #tpu.memory_space<hbm>>
        %dma_start3A_238 = arith.constant 0 : i32
        %dma_start3A_239 = tpu.memref_slice %arg10[%add3A_221, %dma_start3A_238] : memref<256x32xf32, #tpu.memory_space<vmem>> -> memref<1x32xf32, #tpu.memory_space<vmem>>
        %dma_start3A_240 = arith.constant 0 : i32
        %dma_start3A_241 = tpu.memref_slice %arg5[%squeeze3A_233, %dma_start3A_240] : memref<1000000x32xf32, #tpu.memory_space<hbm>> -> memref<1x32xf32, #tpu.memory_space<hbm>>
        tpu.enqueue_dma source(%dma_start3A_241 : memref<1x32xf32, #tpu.memory_space<hbm>>) target(%dma_start3A_239 : memref<1x32xf32, #tpu.memory_space<vmem>>) target_semaphore(%arg13 : memref<!tpu.dma_semaphore, #tpu.memory_space<semaphore_mem>>)
        %mul3A_242 = arith.constant 16 : i32
        %mul3A_243 = arith.muli %scan3A_67, %mul3A_242 : i32
        %add3A_244 = arith.constant 7 : i32
        %add3A_245 = arith.addi %mul3A_243, %add3A_244 : i32
        %slice3A_246 = vector.extract_strided_slice %get3A_71 {offsets = [7], sizes = [1], strides = [1]} : vector<16xi32> to vector<1xi32>
        %squeeze3A_247 = vector.extract %slice3A_246[0] : i32 from vector<1xi32>
        %dma_start3A_248 = arith.constant 0 : i32
        %dma_start3A_249 = tpu.memref_slice %arg9[%add3A_245, %dma_start3A_248] : memref<256x32xf32, #tpu.memory_space<vmem>> -> memref<1x32xf32, #tpu.memory_space<vmem>>
        %dma_start3A_250 = arith.constant 0 : i32
        %dma_start3A_251 = tpu.memref_slice %arg4[%squeeze3A_247, %dma_start3A_250] : memref<1000000x32xf32, #tpu.memory_space<hbm>> -> memref<1x32xf32, #tpu.memory_space<hbm>>
        %dma_start3A_252 = arith.constant 0 : i32
        %dma_start3A_253 = tpu.memref_slice %arg9[%add3A_245, %dma_start3A_252] : memref<256x32xf32, #tpu.memory_space<vmem>> -> memref<1x32xf32, #tpu.memory_space<vmem>>
        %dma_start3A_254 = arith.constant 0 : i32
        %dma_start3A_255 = tpu.memref_slice %arg4[%squeeze3A_247, %dma_start3A_254] : memref<1000000x32xf32, #tpu.memory_space<hbm>> -> memref<1x32xf32, #tpu.memory_space<hbm>>
        tpu.enqueue_dma source(%dma_start3A_255 : memref<1x32xf32, #tpu.memory_space<hbm>>) target(%dma_start3A_253 : memref<1x32xf32, #tpu.memory_space<vmem>>) target_semaphore(%arg12 : memref<!tpu.dma_semaphore, #tpu.memory_space<semaphore_mem>>)
        %slice3A_256 = vector.extract_strided_slice %get3A_76 {offsets = [7], sizes = [1], strides = [1]} : vector<16xi32> to vector<1xi32>
        %squeeze3A_257 = vector.extract %slice3A_256[0] : i32 from vector<1xi32>
        %dma_start3A_258 = arith.constant 0 : i32
        %dma_start3A_259 = tpu.memref_slice %arg10[%add3A_245, %dma_start3A_258] : memref<256x32xf32, #tpu.memory_space<vmem>> -> memref<1x32xf32, #tpu.memory_space<vmem>>
        %dma_start3A_260 = arith.constant 0 : i32
        %dma_start3A_261 = tpu.memref_slice %arg5[%squeeze3A_257, %dma_start3A_260] : memref<1000000x32xf32, #tpu.memory_space<hbm>> -> memref<1x32xf32, #tpu.memory_space<hbm>>
        %dma_start3A_262 = arith.constant 0 : i32
        %dma_start3A_263 = tpu.memref_slice %arg10[%add3A_245, %dma_start3A_262] : memref<256x32xf32, #tpu.memory_space<vmem>> -> memref<1x32xf32, #tpu.memory_space<vmem>>
        %dma_start3A_264 = arith.constant 0 : i32
        %dma_start3A_265 = tpu.memref_slice %arg5[%squeeze3A_257, %dma_start3A_264] : memref<1000000x32xf32, #tpu.memory_space<hbm>> -> memref<1x32xf32, #tpu.memory_space<hbm>>
        tpu.enqueue_dma source(%dma_start3A_265 : memref<1x32xf32, #tpu.memory_space<hbm>>) target(%dma_start3A_263 : memref<1x32xf32, #tpu.memory_space<vmem>>) target_semaphore(%arg13 : memref<!tpu.dma_semaphore, #tpu.memory_space<semaphore_mem>>)
        %mul3A_266 = arith.constant 16 : i32
        %mul3A_267 = arith.muli %scan3A_67, %mul3A_266 : i32
        %add3A_268 = arith.constant 8 : i32
        %add3A_269 = arith.addi %mul3A_267, %add3A_268 : i32
        %slice3A_270 = vector.extract_strided_slice %get3A_71 {offsets = [8], sizes = [1], strides = [1]} : vector<16xi32> to vector<1xi32>
        %squeeze3A_271 = vector.extract %slice3A_270[0] : i32 from vector<1xi32>
        %dma_start3A_272 = arith.constant 0 : i32
        %dma_start3A_273 = tpu.memref_slice %arg9[%add3A_269, %dma_start3A_272] : memref<256x32xf32, #tpu.memory_space<vmem>> -> memref<1x32xf32, #tpu.memory_space<vmem>>
        %dma_start3A_274 = arith.constant 0 : i32
        %dma_start3A_275 = tpu.memref_slice %arg4[%squeeze3A_271, %dma_start3A_274] : memref<1000000x32xf32, #tpu.memory_space<hbm>> -> memref<1x32xf32, #tpu.memory_space<hbm>>
        %dma_start3A_276 = arith.constant 0 : i32
        %dma_start3A_277 = tpu.memref_slice %arg9[%add3A_269, %dma_start3A_276] : memref<256x32xf32, #tpu.memory_space<vmem>> -> memref<1x32xf32, #tpu.memory_space<vmem>>
        %dma_start3A_278 = arith.constant 0 : i32
        %dma_start3A_279 = tpu.memref_slice %arg4[%squeeze3A_271, %dma_start3A_278] : memref<1000000x32xf32, #tpu.memory_space<hbm>> -> memref<1x32xf32, #tpu.memory_space<hbm>>
        tpu.enqueue_dma source(%dma_start3A_279 : memref<1x32xf32, #tpu.memory_space<hbm>>) target(%dma_start3A_277 : memref<1x32xf32, #tpu.memory_space<vmem>>) target_semaphore(%arg12 : memref<!tpu.dma_semaphore, #tpu.memory_space<semaphore_mem>>)
        %slice3A_280 = vector.extract_strided_slice %get3A_76 {offsets = [8], sizes = [1], strides = [1]} : vector<16xi32> to vector<1xi32>
        %squeeze3A_281 = vector.extract %slice3A_280[0] : i32 from vector<1xi32>
        %dma_start3A_282 = arith.constant 0 : i32
        %dma_start3A_283 = tpu.memref_slice %arg10[%add3A_269, %dma_start3A_282] : memref<256x32xf32, #tpu.memory_space<vmem>> -> memref<1x32xf32, #tpu.memory_space<vmem>>
        %dma_start3A_284 = arith.constant 0 : i32
        %dma_start3A_285 = tpu.memref_slice %arg5[%squeeze3A_281, %dma_start3A_284] : memref<1000000x32xf32, #tpu.memory_space<hbm>> -> memref<1x32xf32, #tpu.memory_space<hbm>>
        %dma_start3A_286 = arith.constant 0 : i32
        %dma_start3A_287 = tpu.memref_slice %arg10[%add3A_269, %dma_start3A_286] : memref<256x32xf32, #tpu.memory_space<vmem>> -> memref<1x32xf32, #tpu.memory_space<vmem>>
        %dma_start3A_288 = arith.constant 0 : i32
        %dma_start3A_289 = tpu.memref_slice %arg5[%squeeze3A_281, %dma_start3A_288] : memref<1000000x32xf32, #tpu.memory_space<hbm>> -> memref<1x32xf32, #tpu.memory_space<hbm>>
        tpu.enqueue_dma source(%dma_start3A_289 : memref<1x32xf32, #tpu.memory_space<hbm>>) target(%dma_start3A_287 : memref<1x32xf32, #tpu.memory_space<vmem>>) target_semaphore(%arg13 : memref<!tpu.dma_semaphore, #tpu.memory_space<semaphore_mem>>)
        %mul3A_290 = arith.constant 16 : i32
        %mul3A_291 = arith.muli %scan3A_67, %mul3A_290 : i32
        %add3A_292 = arith.constant 9 : i32
        %add3A_293 = arith.addi %mul3A_291, %add3A_292 : i32
        %slice3A_294 = vector.extract_strided_slice %get3A_71 {offsets = [9], sizes = [1], strides = [1]} : vector<16xi32> to vector<1xi32>
        %squeeze3A_295 = vector.extract %slice3A_294[0] : i32 from vector<1xi32>
        %dma_start3A_296 = arith.constant 0 : i32
        %dma_start3A_297 = tpu.memref_slice %arg9[%add3A_293, %dma_start3A_296] : memref<256x32xf32, #tpu.memory_space<vmem>> -> memref<1x32xf32, #tpu.memory_space<vmem>>
        %dma_start3A_298 = arith.constant 0 : i32
        %dma_start3A_299 = tpu.memref_slice %arg4[%squeeze3A_295, %dma_start3A_298] : memref<1000000x32xf32, #tpu.memory_space<hbm>> -> memref<1x32xf32, #tpu.memory_space<hbm>>
        %dma_start3A_300 = arith.constant 0 : i32
        %dma_start3A_301 = tpu.memref_slice %arg9[%add3A_293, %dma_start3A_300] : memref<256x32xf32, #tpu.memory_space<vmem>> -> memref<1x32xf32, #tpu.memory_space<vmem>>
        %dma_start3A_302 = arith.constant 0 : i32
        %dma_start3A_303 = tpu.memref_slice %arg4[%squeeze3A_295, %dma_start3A_302] : memref<1000000x32xf32, #tpu.memory_space<hbm>> -> memref<1x32xf32, #tpu.memory_space<hbm>>
        tpu.enqueue_dma source(%dma_start3A_303 : memref<1x32xf32, #tpu.memory_space<hbm>>) target(%dma_start3A_301 : memref<1x32xf32, #tpu.memory_space<vmem>>) target_semaphore(%arg12 : memref<!tpu.dma_semaphore, #tpu.memory_space<semaphore_mem>>)
        %slice3A_304 = vector.extract_strided_slice %get3A_76 {offsets = [9], sizes = [1], strides = [1]} : vector<16xi32> to vector<1xi32>
        %squeeze3A_305 = vector.extract %slice3A_304[0] : i32 from vector<1xi32>
        %dma_start3A_306 = arith.constant 0 : i32
        %dma_start3A_307 = tpu.memref_slice %arg10[%add3A_293, %dma_start3A_306] : memref<256x32xf32, #tpu.memory_space<vmem>> -> memref<1x32xf32, #tpu.memory_space<vmem>>
        %dma_start3A_308 = arith.constant 0 : i32
        %dma_start3A_309 = tpu.memref_slice %arg5[%squeeze3A_305, %dma_start3A_308] : memref<1000000x32xf32, #tpu.memory_space<hbm>> -> memref<1x32xf32, #tpu.memory_space<hbm>>
        %dma_start3A_310 = arith.constant 0 : i32
        %dma_start3A_311 = tpu.memref_slice %arg10[%add3A_293, %dma_start3A_310] : memref<256x32xf32, #tpu.memory_space<vmem>> -> memref<1x32xf32, #tpu.memory_space<vmem>>
        %dma_start3A_312 = arith.constant 0 : i32
        %dma_start3A_313 = tpu.memref_slice %arg5[%squeeze3A_305, %dma_start3A_312] : memref<1000000x32xf32, #tpu.memory_space<hbm>> -> memref<1x32xf32, #tpu.memory_space<hbm>>
        tpu.enqueue_dma source(%dma_start3A_313 : memref<1x32xf32, #tpu.memory_space<hbm>>) target(%dma_start3A_311 : memref<1x32xf32, #tpu.memory_space<vmem>>) target_semaphore(%arg13 : memref<!tpu.dma_semaphore, #tpu.memory_space<semaphore_mem>>)
        %mul3A_314 = arith.constant 16 : i32
        %mul3A_315 = arith.muli %scan3A_67, %mul3A_314 : i32
        %add3A_316 = arith.constant 10 : i32
        %add3A_317 = arith.addi %mul3A_315, %add3A_316 : i32
        %slice3A_318 = vector.extract_strided_slice %get3A_71 {offsets = [10], sizes = [1], strides = [1]} : vector<16xi32> to vector<1xi32>
        %squeeze3A_319 = vector.extract %slice3A_318[0] : i32 from vector<1xi32>
        %dma_start3A_320 = arith.constant 0 : i32
        %dma_start3A_321 = tpu.memref_slice %arg9[%add3A_317, %dma_start3A_320] : memref<256x32xf32, #tpu.memory_space<vmem>> -> memref<1x32xf32, #tpu.memory_space<vmem>>
        %dma_start3A_322 = arith.constant 0 : i32
        %dma_start3A_323 = tpu.memref_slice %arg4[%squeeze3A_319, %dma_start3A_322] : memref<1000000x32xf32, #tpu.memory_space<hbm>> -> memref<1x32xf32, #tpu.memory_space<hbm>>
        %dma_start3A_324 = arith.constant 0 : i32
        %dma_start3A_325 = tpu.memref_slice %arg9[%add3A_317, %dma_start3A_324] : memref<256x32xf32, #tpu.memory_space<vmem>> -> memref<1x32xf32, #tpu.memory_space<vmem>>
        %dma_start3A_326 = arith.constant 0 : i32
        %dma_start3A_327 = tpu.memref_slice %arg4[%squeeze3A_319, %dma_start3A_326] : memref<1000000x32xf32, #tpu.memory_space<hbm>> -> memref<1x32xf32, #tpu.memory_space<hbm>>
        tpu.enqueue_dma source(%dma_start3A_327 : memref<1x32xf32, #tpu.memory_space<hbm>>) target(%dma_start3A_325 : memref<1x32xf32, #tpu.memory_space<vmem>>) target_semaphore(%arg12 : memref<!tpu.dma_semaphore, #tpu.memory_space<semaphore_mem>>)
        %slice3A_328 = vector.extract_strided_slice %get3A_76 {offsets = [10], sizes = [1], strides = [1]} : vector<16xi32> to vector<1xi32>
        %squeeze3A_329 = vector.extract %slice3A_328[0] : i32 from vector<1xi32>
        %dma_start3A_330 = arith.constant 0 : i32
        %dma_start3A_331 = tpu.memref_slice %arg10[%add3A_317, %dma_start3A_330] : memref<256x32xf32, #tpu.memory_space<vmem>> -> memref<1x32xf32, #tpu.memory_space<vmem>>
        %dma_start3A_332 = arith.constant 0 : i32
        %dma_start3A_333 = tpu.memref_slice %arg5[%squeeze3A_329, %dma_start3A_332] : memref<1000000x32xf32, #tpu.memory_space<hbm>> -> memref<1x32xf32, #tpu.memory_space<hbm>>
        %dma_start3A_334 = arith.constant 0 : i32
        %dma_start3A_335 = tpu.memref_slice %arg10[%add3A_317, %dma_start3A_334] : memref<256x32xf32, #tpu.memory_space<vmem>> -> memref<1x32xf32, #tpu.memory_space<vmem>>
        %dma_start3A_336 = arith.constant 0 : i32
        %dma_start3A_337 = tpu.memref_slice %arg5[%squeeze3A_329, %dma_start3A_336] : memref<1000000x32xf32, #tpu.memory_space<hbm>> -> memref<1x32xf32, #tpu.memory_space<hbm>>
        tpu.enqueue_dma source(%dma_start3A_337 : memref<1x32xf32, #tpu.memory_space<hbm>>) target(%dma_start3A_335 : memref<1x32xf32, #tpu.memory_space<vmem>>) target_semaphore(%arg13 : memref<!tpu.dma_semaphore, #tpu.memory_space<semaphore_mem>>)
        %mul3A_338 = arith.constant 16 : i32
        %mul3A_339 = arith.muli %scan3A_67, %mul3A_338 : i32
        %add3A_340 = arith.constant 11 : i32
        %add3A_341 = arith.addi %mul3A_339, %add3A_340 : i32
        %slice3A_342 = vector.extract_strided_slice %get3A_71 {offsets = [11], sizes = [1], strides = [1]} : vector<16xi32> to vector<1xi32>
        %squeeze3A_343 = vector.extract %slice3A_342[0] : i32 from vector<1xi32>
        %dma_start3A_344 = arith.constant 0 : i32
        %dma_start3A_345 = tpu.memref_slice %arg9[%add3A_341, %dma_start3A_344] : memref<256x32xf32, #tpu.memory_space<vmem>> -> memref<1x32xf32, #tpu.memory_space<vmem>>
        %dma_start3A_346 = arith.constant 0 : i32
        %dma_start3A_347 = tpu.memref_slice %arg4[%squeeze3A_343, %dma_start3A_346] : memref<1000000x32xf32, #tpu.memory_space<hbm>> -> memref<1x32xf32, #tpu.memory_space<hbm>>
        %dma_start3A_348 = arith.constant 0 : i32
        %dma_start3A_349 = tpu.memref_slice %arg9[%add3A_341, %dma_start3A_348] : memref<256x32xf32, #tpu.memory_space<vmem>> -> memref<1x32xf32, #tpu.memory_space<vmem>>
        %dma_start3A_350 = arith.constant 0 : i32
        %dma_start3A_351 = tpu.memref_slice %arg4[%squeeze3A_343, %dma_start3A_350] : memref<1000000x32xf32, #tpu.memory_space<hbm>> -> memref<1x32xf32, #tpu.memory_space<hbm>>
        tpu.enqueue_dma source(%dma_start3A_351 : memref<1x32xf32, #tpu.memory_space<hbm>>) target(%dma_start3A_349 : memref<1x32xf32, #tpu.memory_space<vmem>>) target_semaphore(%arg12 : memref<!tpu.dma_semaphore, #tpu.memory_space<semaphore_mem>>)
        %slice3A_352 = vector.extract_strided_slice %get3A_76 {offsets = [11], sizes = [1], strides = [1]} : vector<16xi32> to vector<1xi32>
        %squeeze3A_353 = vector.extract %slice3A_352[0] : i32 from vector<1xi32>
        %dma_start3A_354 = arith.constant 0 : i32
        %dma_start3A_355 = tpu.memref_slice %arg10[%add3A_341, %dma_start3A_354] : memref<256x32xf32, #tpu.memory_space<vmem>> -> memref<1x32xf32, #tpu.memory_space<vmem>>
        %dma_start3A_356 = arith.constant 0 : i32
        %dma_start3A_357 = tpu.memref_slice %arg5[%squeeze3A_353, %dma_start3A_356] : memref<1000000x32xf32, #tpu.memory_space<hbm>> -> memref<1x32xf32, #tpu.memory_space<hbm>>
        %dma_start3A_358 = arith.constant 0 : i32
        %dma_start3A_359 = tpu.memref_slice %arg10[%add3A_341, %dma_start3A_358] : memref<256x32xf32, #tpu.memory_space<vmem>> -> memref<1x32xf32, #tpu.memory_space<vmem>>
        %dma_start3A_360 = arith.constant 0 : i32
        %dma_start3A_361 = tpu.memref_slice %arg5[%squeeze3A_353, %dma_start3A_360] : memref<1000000x32xf32, #tpu.memory_space<hbm>> -> memref<1x32xf32, #tpu.memory_space<hbm>>
        tpu.enqueue_dma source(%dma_start3A_361 : memref<1x32xf32, #tpu.memory_space<hbm>>) target(%dma_start3A_359 : memref<1x32xf32, #tpu.memory_space<vmem>>) target_semaphore(%arg13 : memref<!tpu.dma_semaphore, #tpu.memory_space<semaphore_mem>>)
        %mul3A_362 = arith.constant 16 : i32
        %mul3A_363 = arith.muli %scan3A_67, %mul3A_362 : i32
        %add3A_364 = arith.constant 12 : i32
        %add3A_365 = arith.addi %mul3A_363, %add3A_364 : i32
        %slice3A_366 = vector.extract_strided_slice %get3A_71 {offsets = [12], sizes = [1], strides = [1]} : vector<16xi32> to vector<1xi32>
        %squeeze3A_367 = vector.extract %slice3A_366[0] : i32 from vector<1xi32>
        %dma_start3A_368 = arith.constant 0 : i32
        %dma_start3A_369 = tpu.memref_slice %arg9[%add3A_365, %dma_start3A_368] : memref<256x32xf32, #tpu.memory_space<vmem>> -> memref<1x32xf32, #tpu.memory_space<vmem>>
        %dma_start3A_370 = arith.constant 0 : i32
        %dma_start3A_371 = tpu.memref_slice %arg4[%squeeze3A_367, %dma_start3A_370] : memref<1000000x32xf32, #tpu.memory_space<hbm>> -> memref<1x32xf32, #tpu.memory_space<hbm>>
        %dma_start3A_372 = arith.constant 0 : i32
        %dma_start3A_373 = tpu.memref_slice %arg9[%add3A_365, %dma_start3A_372] : memref<256x32xf32, #tpu.memory_space<vmem>> -> memref<1x32xf32, #tpu.memory_space<vmem>>
        %dma_start3A_374 = arith.constant 0 : i32
        %dma_start3A_375 = tpu.memref_slice %arg4[%squeeze3A_367, %dma_start3A_374] : memref<1000000x32xf32, #tpu.memory_space<hbm>> -> memref<1x32xf32, #tpu.memory_space<hbm>>
        tpu.enqueue_dma source(%dma_start3A_375 : memref<1x32xf32, #tpu.memory_space<hbm>>) target(%dma_start3A_373 : memref<1x32xf32, #tpu.memory_space<vmem>>) target_semaphore(%arg12 : memref<!tpu.dma_semaphore, #tpu.memory_space<semaphore_mem>>)
        %slice3A_376 = vector.extract_strided_slice %get3A_76 {offsets = [12], sizes = [1], strides = [1]} : vector<16xi32> to vector<1xi32>
        %squeeze3A_377 = vector.extract %slice3A_376[0] : i32 from vector<1xi32>
        %dma_start3A_378 = arith.constant 0 : i32
        %dma_start3A_379 = tpu.memref_slice %arg10[%add3A_365, %dma_start3A_378] : memref<256x32xf32, #tpu.memory_space<vmem>> -> memref<1x32xf32, #tpu.memory_space<vmem>>
        %dma_start3A_380 = arith.constant 0 : i32
        %dma_start3A_381 = tpu.memref_slice %arg5[%squeeze3A_377, %dma_start3A_380] : memref<1000000x32xf32, #tpu.memory_space<hbm>> -> memref<1x32xf32, #tpu.memory_space<hbm>>
        %dma_start3A_382 = arith.constant 0 : i32
        %dma_start3A_383 = tpu.memref_slice %arg10[%add3A_365, %dma_start3A_382] : memref<256x32xf32, #tpu.memory_space<vmem>> -> memref<1x32xf32, #tpu.memory_space<vmem>>
        %dma_start3A_384 = arith.constant 0 : i32
        %dma_start3A_385 = tpu.memref_slice %arg5[%squeeze3A_377, %dma_start3A_384] : memref<1000000x32xf32, #tpu.memory_space<hbm>> -> memref<1x32xf32, #tpu.memory_space<hbm>>
        tpu.enqueue_dma source(%dma_start3A_385 : memref<1x32xf32, #tpu.memory_space<hbm>>) target(%dma_start3A_383 : memref<1x32xf32, #tpu.memory_space<vmem>>) target_semaphore(%arg13 : memref<!tpu.dma_semaphore, #tpu.memory_space<semaphore_mem>>)
        %mul3A_386 = arith.constant 16 : i32
        %mul3A_387 = arith.muli %scan3A_67, %mul3A_386 : i32
        %add3A_388 = arith.constant 13 : i32
        %add3A_389 = arith.addi %mul3A_387, %add3A_388 : i32
        %slice3A_390 = vector.extract_strided_slice %get3A_71 {offsets = [13], sizes = [1], strides = [1]} : vector<16xi32> to vector<1xi32>
        %squeeze3A_391 = vector.extract %slice3A_390[0] : i32 from vector<1xi32>
        %dma_start3A_392 = arith.constant 0 : i32
        %dma_start3A_393 = tpu.memref_slice %arg9[%add3A_389, %dma_start3A_392] : memref<256x32xf32, #tpu.memory_space<vmem>> -> memref<1x32xf32, #tpu.memory_space<vmem>>
        %dma_start3A_394 = arith.constant 0 : i32
        %dma_start3A_395 = tpu.memref_slice %arg4[%squeeze3A_391, %dma_start3A_394] : memref<1000000x32xf32, #tpu.memory_space<hbm>> -> memref<1x32xf32, #tpu.memory_space<hbm>>
        %dma_start3A_396 = arith.constant 0 : i32
        %dma_start3A_397 = tpu.memref_slice %arg9[%add3A_389, %dma_start3A_396] : memref<256x32xf32, #tpu.memory_space<vmem>> -> memref<1x32xf32, #tpu.memory_space<vmem>>
        %dma_start3A_398 = arith.constant 0 : i32
        %dma_start3A_399 = tpu.memref_slice %arg4[%squeeze3A_391, %dma_start3A_398] : memref<1000000x32xf32, #tpu.memory_space<hbm>> -> memref<1x32xf32, #tpu.memory_space<hbm>>
        tpu.enqueue_dma source(%dma_start3A_399 : memref<1x32xf32, #tpu.memory_space<hbm>>) target(%dma_start3A_397 : memref<1x32xf32, #tpu.memory_space<vmem>>) target_semaphore(%arg12 : memref<!tpu.dma_semaphore, #tpu.memory_space<semaphore_mem>>)
        %slice3A_400 = vector.extract_strided_slice %get3A_76 {offsets = [13], sizes = [1], strides = [1]} : vector<16xi32> to vector<1xi32>
        %squeeze3A_401 = vector.extract %slice3A_400[0] : i32 from vector<1xi32>
        %dma_start3A_402 = arith.constant 0 : i32
        %dma_start3A_403 = tpu.memref_slice %arg10[%add3A_389, %dma_start3A_402] : memref<256x32xf32, #tpu.memory_space<vmem>> -> memref<1x32xf32, #tpu.memory_space<vmem>>
        %dma_start3A_404 = arith.constant 0 : i32
        %dma_start3A_405 = tpu.memref_slice %arg5[%squeeze3A_401, %dma_start3A_404] : memref<1000000x32xf32, #tpu.memory_space<hbm>> -> memref<1x32xf32, #tpu.memory_space<hbm>>
        %dma_start3A_406 = arith.constant 0 : i32
        %dma_start3A_407 = tpu.memref_slice %arg10[%add3A_389, %dma_start3A_406] : memref<256x32xf32, #tpu.memory_space<vmem>> -> memref<1x32xf32, #tpu.memory_space<vmem>>
        %dma_start3A_408 = arith.constant 0 : i32
        %dma_start3A_409 = tpu.memref_slice %arg5[%squeeze3A_401, %dma_start3A_408] : memref<1000000x32xf32, #tpu.memory_space<hbm>> -> memref<1x32xf32, #tpu.memory_space<hbm>>
        tpu.enqueue_dma source(%dma_start3A_409 : memref<1x32xf32, #tpu.memory_space<hbm>>) target(%dma_start3A_407 : memref<1x32xf32, #tpu.memory_space<vmem>>) target_semaphore(%arg13 : memref<!tpu.dma_semaphore, #tpu.memory_space<semaphore_mem>>)
        %mul3A_410 = arith.constant 16 : i32
        %mul3A_411 = arith.muli %scan3A_67, %mul3A_410 : i32
        %add3A_412 = arith.constant 14 : i32
        %add3A_413 = arith.addi %mul3A_411, %add3A_412 : i32
        %slice3A_414 = vector.extract_strided_slice %get3A_71 {offsets = [14], sizes = [1], strides = [1]} : vector<16xi32> to vector<1xi32>
        %squeeze3A_415 = vector.extract %slice3A_414[0] : i32 from vector<1xi32>
        %dma_start3A_416 = arith.constant 0 : i32
        %dma_start3A_417 = tpu.memref_slice %arg9[%add3A_413, %dma_start3A_416] : memref<256x32xf32, #tpu.memory_space<vmem>> -> memref<1x32xf32, #tpu.memory_space<vmem>>
        %dma_start3A_418 = arith.constant 0 : i32
        %dma_start3A_419 = tpu.memref_slice %arg4[%squeeze3A_415, %dma_start3A_418] : memref<1000000x32xf32, #tpu.memory_space<hbm>> -> memref<1x32xf32, #tpu.memory_space<hbm>>
        %dma_start3A_420 = arith.constant 0 : i32
        %dma_start3A_421 = tpu.memref_slice %arg9[%add3A_413, %dma_start3A_420] : memref<256x32xf32, #tpu.memory_space<vmem>> -> memref<1x32xf32, #tpu.memory_space<vmem>>
        %dma_start3A_422 = arith.constant 0 : i32
        %dma_start3A_423 = tpu.memref_slice %arg4[%squeeze3A_415, %dma_start3A_422] : memref<1000000x32xf32, #tpu.memory_space<hbm>> -> memref<1x32xf32, #tpu.memory_space<hbm>>
        tpu.enqueue_dma source(%dma_start3A_423 : memref<1x32xf32, #tpu.memory_space<hbm>>) target(%dma_start3A_421 : memref<1x32xf32, #tpu.memory_space<vmem>>) target_semaphore(%arg12 : memref<!tpu.dma_semaphore, #tpu.memory_space<semaphore_mem>>)
        %slice3A_424 = vector.extract_strided_slice %get3A_76 {offsets = [14], sizes = [1], strides = [1]} : vector<16xi32> to vector<1xi32>
        %squeeze3A_425 = vector.extract %slice3A_424[0] : i32 from vector<1xi32>
        %dma_start3A_426 = arith.constant 0 : i32
        %dma_start3A_427 = tpu.memref_slice %arg10[%add3A_413, %dma_start3A_426] : memref<256x32xf32, #tpu.memory_space<vmem>> -> memref<1x32xf32, #tpu.memory_space<vmem>>
        %dma_start3A_428 = arith.constant 0 : i32
        %dma_start3A_429 = tpu.memref_slice %arg5[%squeeze3A_425, %dma_start3A_428] : memref<1000000x32xf32, #tpu.memory_space<hbm>> -> memref<1x32xf32, #tpu.memory_space<hbm>>
        %dma_start3A_430 = arith.constant 0 : i32
        %dma_start3A_431 = tpu.memref_slice %arg10[%add3A_413, %dma_start3A_430] : memref<256x32xf32, #tpu.memory_space<vmem>> -> memref<1x32xf32, #tpu.memory_space<vmem>>
        %dma_start3A_432 = arith.constant 0 : i32
        %dma_start3A_433 = tpu.memref_slice %arg5[%squeeze3A_425, %dma_start3A_432] : memref<1000000x32xf32, #tpu.memory_space<hbm>> -> memref<1x32xf32, #tpu.memory_space<hbm>>
        tpu.enqueue_dma source(%dma_start3A_433 : memref<1x32xf32, #tpu.memory_space<hbm>>) target(%dma_start3A_431 : memref<1x32xf32, #tpu.memory_space<vmem>>) target_semaphore(%arg13 : memref<!tpu.dma_semaphore, #tpu.memory_space<semaphore_mem>>)
        %mul3A_434 = arith.constant 16 : i32
        %mul3A_435 = arith.muli %scan3A_67, %mul3A_434 : i32
        %add3A_436 = arith.constant 15 : i32
        %add3A_437 = arith.addi %mul3A_435, %add3A_436 : i32
        %slice3A_438 = vector.extract_strided_slice %get3A_71 {offsets = [15], sizes = [1], strides = [1]} : vector<16xi32> to vector<1xi32>
        %squeeze3A_439 = vector.extract %slice3A_438[0] : i32 from vector<1xi32>
        %dma_start3A_440 = arith.constant 0 : i32
        %dma_start3A_441 = tpu.memref_slice %arg9[%add3A_437, %dma_start3A_440] : memref<256x32xf32, #tpu.memory_space<vmem>> -> memref<1x32xf32, #tpu.memory_space<vmem>>
        %dma_start3A_442 = arith.constant 0 : i32
        %dma_start3A_443 = tpu.memref_slice %arg4[%squeeze3A_439, %dma_start3A_442] : memref<1000000x32xf32, #tpu.memory_space<hbm>> -> memref<1x32xf32, #tpu.memory_space<hbm>>
        %dma_start3A_444 = arith.constant 0 : i32
        %dma_start3A_445 = tpu.memref_slice %arg9[%add3A_437, %dma_start3A_444] : memref<256x32xf32, #tpu.memory_space<vmem>> -> memref<1x32xf32, #tpu.memory_space<vmem>>
        %dma_start3A_446 = arith.constant 0 : i32
        %dma_start3A_447 = tpu.memref_slice %arg4[%squeeze3A_439, %dma_start3A_446] : memref<1000000x32xf32, #tpu.memory_space<hbm>> -> memref<1x32xf32, #tpu.memory_space<hbm>>
        tpu.enqueue_dma source(%dma_start3A_447 : memref<1x32xf32, #tpu.memory_space<hbm>>) target(%dma_start3A_445 : memref<1x32xf32, #tpu.memory_space<vmem>>) target_semaphore(%arg12 : memref<!tpu.dma_semaphore, #tpu.memory_space<semaphore_mem>>)
        %slice3A_448 = vector.extract_strided_slice %get3A_76 {offsets = [15], sizes = [1], strides = [1]} : vector<16xi32> to vector<1xi32>
        %squeeze3A_449 = vector.extract %slice3A_448[0] : i32 from vector<1xi32>
        %dma_start3A_450 = arith.constant 0 : i32
        %dma_start3A_451 = tpu.memref_slice %arg10[%add3A_437, %dma_start3A_450] : memref<256x32xf32, #tpu.memory_space<vmem>> -> memref<1x32xf32, #tpu.memory_space<vmem>>
        %dma_start3A_452 = arith.constant 0 : i32
        %dma_start3A_453 = tpu.memref_slice %arg5[%squeeze3A_449, %dma_start3A_452] : memref<1000000x32xf32, #tpu.memory_space<hbm>> -> memref<1x32xf32, #tpu.memory_space<hbm>>
        %dma_start3A_454 = arith.constant 0 : i32
        %dma_start3A_455 = tpu.memref_slice %arg10[%add3A_437, %dma_start3A_454] : memref<256x32xf32, #tpu.memory_space<vmem>> -> memref<1x32xf32, #tpu.memory_space<vmem>>
        %dma_start3A_456 = arith.constant 0 : i32
        %dma_start3A_457 = tpu.memref_slice %arg5[%squeeze3A_449, %dma_start3A_456] : memref<1000000x32xf32, #tpu.memory_space<hbm>> -> memref<1x32xf32, #tpu.memory_space<hbm>>
        tpu.enqueue_dma source(%dma_start3A_457 : memref<1x32xf32, #tpu.memory_space<hbm>>) target(%dma_start3A_455 : memref<1x32xf32, #tpu.memory_space<vmem>>) target_semaphore(%arg13 : memref<!tpu.dma_semaphore, #tpu.memory_space<semaphore_mem>>)
      }
      %scan3A_49 = arith.constant 16 : i32
      %dma_wait3A = arith.constant 0 : i32
      %dma_wait3A_50 = arith.constant 0 : i32
      %dma_wait3A_51 = tpu.memref_slice %arg4[%dma_wait3A, %dma_wait3A_50] : memref<1000000x32xf32, #tpu.memory_space<hbm>> -> memref<256x32xf32, #tpu.memory_space<hbm>>
      %dma_wait3A_52 = arith.constant 0 : i32
      %dma_wait3A_53 = arith.constant 0 : i32
      %dma_wait3A_54 = tpu.memref_slice %arg4[%dma_wait3A_52, %dma_wait3A_53] : memref<1000000x32xf32, #tpu.memory_space<hbm>> -> memref<256x32xf32, #tpu.memory_space<hbm>>
      tpu.wait_dma2 semaphore(%arg12 : memref<!tpu.dma_semaphore, #tpu.memory_space<semaphore_mem>>) src(%dma_wait3A_54 : memref<256x32xf32, #tpu.memory_space<hbm>>) dst(%arg9 : memref<256x32xf32, #tpu.memory_space<vmem>>)
      %dma_wait3A_55 = arith.constant 0 : i32
      %dma_wait3A_56 = arith.constant 0 : i32
      %dma_wait3A_57 = tpu.memref_slice %arg5[%dma_wait3A_55, %dma_wait3A_56] : memref<1000000x32xf32, #tpu.memory_space<hbm>> -> memref<256x32xf32, #tpu.memory_space<hbm>>
      %dma_wait3A_58 = arith.constant 0 : i32
      %dma_wait3A_59 = arith.constant 0 : i32
      %dma_wait3A_60 = tpu.memref_slice %arg5[%dma_wait3A_58, %dma_wait3A_59] : memref<1000000x32xf32, #tpu.memory_space<hbm>> -> memref<256x32xf32, #tpu.memory_space<hbm>>
      tpu.wait_dma2 semaphore(%arg13 : memref<!tpu.dma_semaphore, #tpu.memory_space<semaphore_mem>>) src(%dma_wait3A_60 : memref<256x32xf32, #tpu.memory_space<hbm>>) dst(%arg10 : memref<256x32xf32, #tpu.memory_space<vmem>>)
      %scan3A_61 = arith.constant 0 : i32
      %scan3A_62 = arith.constant 0 : i32
      %scan3A_63 = arith.constant 16 : i32
      %scan3A_64 = arith.addi %scan3A_62, %scan3A_63 : i32
      %scan3A_65 = arith.constant 1 : i32
      scf.for %scan3A_67 = %scan3A_62 to %scan3A_64 step %scan3A_65  : i32 {
        %mul3A_68 = arith.constant 16 : i32
        %mul3A_69 = arith.muli %scan3A_67, %mul3A_68 : i32
        %add3A_70 = arith.constant 0 : i32
        %add3A_71 = arith.addi %mul3A_69, %add3A_70 : i32
        %get3A = arith.index_cast %add3A_71 : i32 to index
        %get3A_72 = arith.constant 0 : index
        %get3A_73 = tpu.vector_load %arg9[%get3A, %get3A_72] {strides = array<i32>} : memref<256x32xf32, #tpu.memory_space<vmem>>, vector<16xf32>,
        %get3A_74 = arith.index_cast %add3A_71 : i32 to index
        %get3A_75 = arith.constant 16 : index
        %get3A_76 = tpu.vector_load %arg9[%get3A_74, %get3A_75] {strides = array<i32>} : memref<256x32xf32, #tpu.memory_space<vmem>>, vector<16xf32>,
        %get3A_77 = arith.index_cast %add3A_71 : i32 to index
        %get3A_78 = arith.constant 0 : index
        %get3A_79 = tpu.vector_load %arg10[%get3A_77, %get3A_78] {strides = array<i32>} : memref<256x32xf32, #tpu.memory_space<vmem>>, vector<16xf32>,
        %get3A_80 = arith.index_cast %add3A_71 : i32 to index
        %get3A_81 = arith.constant 16 : index
        %get3A_82 = tpu.vector_load %arg10[%get3A_80, %get3A_81] {strides = array<i32>} : memref<256x32xf32, #tpu.memory_space<vmem>>, vector<16xf32>,
        %mul3A_83 = arith.mulf %get3A_73, %get3A_79 : vector<16xf32>
        %mul3A_84 = arith.mulf %get3A_76, %get3A_82 : vector<16xf32>
        %add3A_85 = arith.addf %mul3A_83, %mul3A_84 : vector<16xf32>
        %mul3A_86 = arith.constant 16 : i32
        %mul3A_87 = arith.muli %scan3A_67, %mul3A_86 : i32
        %add3A_88 = arith.constant 1 : i32
        %add3A_89 = arith.addi %mul3A_87, %add3A_88 : i32
        %get3A_90 = arith.index_cast %add3A_89 : i32 to index
        %get3A_91 = arith.constant 0 : index
        %get3A_92 = tpu.vector_load %arg9[%get3A_90, %get3A_91] {strides = array<i32>} : memref<256x32xf32, #tpu.memory_space<vmem>>, vector<16xf32>,
        %get3A_93 = arith.index_cast %add3A_89 : i32 to index
        %get3A_94 = arith.constant 16 : index
        %get3A_95 = tpu.vector_load %arg9[%get3A_93, %get3A_94] {strides = array<i32>} : memref<256x32xf32, #tpu.memory_space<vmem>>, vector<16xf32>,
        %get3A_96 = arith.index_cast %add3A_89 : i32 to index
        %get3A_97 = arith.constant 0 : index
        %get3A_98 = tpu.vector_load %arg10[%get3A_96, %get3A_97] {strides = array<i32>} : memref<256x32xf32, #tpu.memory_space<vmem>>, vector<16xf32>,
        %get3A_99 = arith.index_cast %add3A_89 : i32 to index
        %get3A_100 = arith.constant 16 : index
        %get3A_101 = tpu.vector_load %arg10[%get3A_99, %get3A_100] {strides = array<i32>} : memref<256x32xf32, #tpu.memory_space<vmem>>, vector<16xf32>,
        %mul3A_102 = arith.mulf %get3A_92, %get3A_98 : vector<16xf32>
        %mul3A_103 = arith.mulf %get3A_95, %get3A_101 : vector<16xf32>
        %add3A_104 = arith.addf %mul3A_102, %mul3A_103 : vector<16xf32>
        %mul3A_105 = arith.constant 16 : i32
        %mul3A_106 = arith.muli %scan3A_67, %mul3A_105 : i32
        %add3A_107 = arith.constant 2 : i32
        %add3A_108 = arith.addi %mul3A_106, %add3A_107 : i32
        %get3A_109 = arith.index_cast %add3A_108 : i32 to index
        %get3A_110 = arith.constant 0 : index
        %get3A_111 = tpu.vector_load %arg9[%get3A_109, %get3A_110] {strides = array<i32>} : memref<256x32xf32, #tpu.memory_space<vmem>>, vector<16xf32>,
        %get3A_112 = arith.index_cast %add3A_108 : i32 to index
        %get3A_113 = arith.constant 16 : index
        %get3A_114 = tpu.vector_load %arg9[%get3A_112, %get3A_113] {strides = array<i32>} : memref<256x32xf32, #tpu.memory_space<vmem>>, vector<16xf32>,
        %get3A_115 = arith.index_cast %add3A_108 : i32 to index
        %get3A_116 = arith.constant 0 : index
        %get3A_117 = tpu.vector_load %arg10[%get3A_115, %get3A_116] {strides = array<i32>} : memref<256x32xf32, #tpu.memory_space<vmem>>, vector<16xf32>,
        %get3A_118 = arith.index_cast %add3A_108 : i32 to index
        %get3A_119 = arith.constant 16 : index
        %get3A_120 = tpu.vector_load %arg10[%get3A_118, %get3A_119] {strides = array<i32>} : memref<256x32xf32, #tpu.memory_space<vmem>>, vector<16xf32>,
        %mul3A_121 = arith.mulf %get3A_111, %get3A_117 : vector<16xf32>
        %mul3A_122 = arith.mulf %get3A_114, %get3A_120 : vector<16xf32>
        %add3A_123 = arith.addf %mul3A_121, %mul3A_122 : vector<16xf32>
        %mul3A_124 = arith.constant 16 : i32
        %mul3A_125 = arith.muli %scan3A_67, %mul3A_124 : i32
        %add3A_126 = arith.constant 3 : i32
        %add3A_127 = arith.addi %mul3A_125, %add3A_126 : i32
        %get3A_128 = arith.index_cast %add3A_127 : i32 to index
        %get3A_129 = arith.constant 0 : index
        %get3A_130 = tpu.vector_load %arg9[%get3A_128, %get3A_129] {strides = array<i32>} : memref<256x32xf32, #tpu.memory_space<vmem>>, vector<16xf32>,
        %get3A_131 = arith.index_cast %add3A_127 : i32 to index
        %get3A_132 = arith.constant 16 : index
        %get3A_133 = tpu.vector_load %arg9[%get3A_131, %get3A_132] {strides = array<i32>} : memref<256x32xf32, #tpu.memory_space<vmem>>, vector<16xf32>,
        %get3A_134 = arith.index_cast %add3A_127 : i32 to index
        %get3A_135 = arith.constant 0 : index
        %get3A_136 = tpu.vector_load %arg10[%get3A_134, %get3A_135] {strides = array<i32>} : memref<256x32xf32, #tpu.memory_space<vmem>>, vector<16xf32>,
        %get3A_137 = arith.index_cast %add3A_127 : i32 to index
        %get3A_138 = arith.constant 16 : index
        %get3A_139 = tpu.vector_load %arg10[%get3A_137, %get3A_138] {strides = array<i32>} : memref<256x32xf32, #tpu.memory_space<vmem>>, vector<16xf32>,
        %mul3A_140 = arith.mulf %get3A_130, %get3A_136 : vector<16xf32>
        %mul3A_141 = arith.mulf %get3A_133, %get3A_139 : vector<16xf32>
        %add3A_142 = arith.addf %mul3A_140, %mul3A_141 : vector<16xf32>
        %mul3A_143 = arith.constant 16 : i32
        %mul3A_144 = arith.muli %scan3A_67, %mul3A_143 : i32
        %add3A_145 = arith.constant 4 : i32
        %add3A_146 = arith.addi %mul3A_144, %add3A_145 : i32
        %get3A_147 = arith.index_cast %add3A_146 : i32 to index
        %get3A_148 = arith.constant 0 : index
        %get3A_149 = tpu.vector_load %arg9[%get3A_147, %get3A_148] {strides = array<i32>} : memref<256x32xf32, #tpu.memory_space<vmem>>, vector<16xf32>,
        %get3A_150 = arith.index_cast %add3A_146 : i32 to index
        %get3A_151 = arith.constant 16 : index
        %get3A_152 = tpu.vector_load %arg9[%get3A_150, %get3A_151] {strides = array<i32>} : memref<256x32xf32, #tpu.memory_space<vmem>>, vector<16xf32>,
        %get3A_153 = arith.index_cast %add3A_146 : i32 to index
        %get3A_154 = arith.constant 0 : index
        %get3A_155 = tpu.vector_load %arg10[%get3A_153, %get3A_154] {strides = array<i32>} : memref<256x32xf32, #tpu.memory_space<vmem>>, vector<16xf32>,
        %get3A_156 = arith.index_cast %add3A_146 : i32 to index
        %get3A_157 = arith.constant 16 : index
        %get3A_158 = tpu.vector_load %arg10[%get3A_156, %get3A_157] {strides = array<i32>} : memref<256x32xf32, #tpu.memory_space<vmem>>, vector<16xf32>,
        %mul3A_159 = arith.mulf %get3A_149, %get3A_155 : vector<16xf32>
        %mul3A_160 = arith.mulf %get3A_152, %get3A_158 : vector<16xf32>
        %add3A_161 = arith.addf %mul3A_159, %mul3A_160 : vector<16xf32>
        %mul3A_162 = arith.constant 16 : i32
        %mul3A_163 = arith.muli %scan3A_67, %mul3A_162 : i32
        %add3A_164 = arith.constant 5 : i32
        %add3A_165 = arith.addi %mul3A_163, %add3A_164 : i32
        %get3A_166 = arith.index_cast %add3A_165 : i32 to index
        %get3A_167 = arith.constant 0 : index
        %get3A_168 = tpu.vector_load %arg9[%get3A_166, %get3A_167] {strides = array<i32>} : memref<256x32xf32, #tpu.memory_space<vmem>>, vector<16xf32>,
        %get3A_169 = arith.index_cast %add3A_165 : i32 to index
        %get3A_170 = arith.constant 16 : index
        %get3A_171 = tpu.vector_load %arg9[%get3A_169, %get3A_170] {strides = array<i32>} : memref<256x32xf32, #tpu.memory_space<vmem>>, vector<16xf32>,
        %get3A_172 = arith.index_cast %add3A_165 : i32 to index
        %get3A_173 = arith.constant 0 : index
        %get3A_174 = tpu.vector_load %arg10[%get3A_172, %get3A_173] {strides = array<i32>} : memref<256x32xf32, #tpu.memory_space<vmem>>, vector<16xf32>,
        %get3A_175 = arith.index_cast %add3A_165 : i32 to index
        %get3A_176 = arith.constant 16 : index
        %get3A_177 = tpu.vector_load %arg10[%get3A_175, %get3A_176] {strides = array<i32>} : memref<256x32xf32, #tpu.memory_space<vmem>>, vector<16xf32>,
        %mul3A_178 = arith.mulf %get3A_168, %get3A_174 : vector<16xf32>
        %mul3A_179 = arith.mulf %get3A_171, %get3A_177 : vector<16xf32>
        %add3A_180 = arith.addf %mul3A_178, %mul3A_179 : vector<16xf32>
        %mul3A_181 = arith.constant 16 : i32
        %mul3A_182 = arith.muli %scan3A_67, %mul3A_181 : i32
        %add3A_183 = arith.constant 6 : i32
        %add3A_184 = arith.addi %mul3A_182, %add3A_183 : i32
        %get3A_185 = arith.index_cast %add3A_184 : i32 to index
        %get3A_186 = arith.constant 0 : index
        %get3A_187 = tpu.vector_load %arg9[%get3A_185, %get3A_186] {strides = array<i32>} : memref<256x32xf32, #tpu.memory_space<vmem>>, vector<16xf32>,
        %get3A_188 = arith.index_cast %add3A_184 : i32 to index
        %get3A_189 = arith.constant 16 : index
        %get3A_190 = tpu.vector_load %arg9[%get3A_188, %get3A_189] {strides = array<i32>} : memref<256x32xf32, #tpu.memory_space<vmem>>, vector<16xf32>,
        %get3A_191 = arith.index_cast %add3A_184 : i32 to index
        %get3A_192 = arith.constant 0 : index
        %get3A_193 = tpu.vector_load %arg10[%get3A_191, %get3A_192] {strides = array<i32>} : memref<256x32xf32, #tpu.memory_space<vmem>>, vector<16xf32>,
        %get3A_194 = arith.index_cast %add3A_184 : i32 to index
        %get3A_195 = arith.constant 16 : index
        %get3A_196 = tpu.vector_load %arg10[%get3A_194, %get3A_195] {strides = array<i32>} : memref<256x32xf32, #tpu.memory_space<vmem>>, vector<16xf32>,
        %mul3A_197 = arith.mulf %get3A_187, %get3A_193 : vector<16xf32>
        %mul3A_198 = arith.mulf %get3A_190, %get3A_196 : vector<16xf32>
        %add3A_199 = arith.addf %mul3A_197, %mul3A_198 : vector<16xf32>
        %mul3A_200 = arith.constant 16 : i32
        %mul3A_201 = arith.muli %scan3A_67, %mul3A_200 : i32
        %add3A_202 = arith.constant 7 : i32
        %add3A_203 = arith.addi %mul3A_201, %add3A_202 : i32
        %get3A_204 = arith.index_cast %add3A_203 : i32 to index
        %get3A_205 = arith.constant 0 : index
        %get3A_206 = tpu.vector_load %arg9[%get3A_204, %get3A_205] {strides = array<i32>} : memref<256x32xf32, #tpu.memory_space<vmem>>, vector<16xf32>,
        %get3A_207 = arith.index_cast %add3A_203 : i32 to index
        %get3A_208 = arith.constant 16 : index
        %get3A_209 = tpu.vector_load %arg9[%get3A_207, %get3A_208] {strides = array<i32>} : memref<256x32xf32, #tpu.memory_space<vmem>>, vector<16xf32>,
        %get3A_210 = arith.index_cast %add3A_203 : i32 to index
        %get3A_211 = arith.constant 0 : index
        %get3A_212 = tpu.vector_load %arg10[%get3A_210, %get3A_211] {strides = array<i32>} : memref<256x32xf32, #tpu.memory_space<vmem>>, vector<16xf32>,
        %get3A_213 = arith.index_cast %add3A_203 : i32 to index
        %get3A_214 = arith.constant 16 : index
        %get3A_215 = tpu.vector_load %arg10[%get3A_213, %get3A_214] {strides = array<i32>} : memref<256x32xf32, #tpu.memory_space<vmem>>, vector<16xf32>,
        %mul3A_216 = arith.mulf %get3A_206, %get3A_212 : vector<16xf32>
        %mul3A_217 = arith.mulf %get3A_209, %get3A_215 : vector<16xf32>
        %add3A_218 = arith.addf %mul3A_216, %mul3A_217 : vector<16xf32>
        %mul3A_219 = arith.constant 16 : i32
        %mul3A_220 = arith.muli %scan3A_67, %mul3A_219 : i32
        %add3A_221 = arith.constant 8 : i32
        %add3A_222 = arith.addi %mul3A_220, %add3A_221 : i32
        %get3A_223 = arith.index_cast %add3A_222 : i32 to index
        %get3A_224 = arith.constant 0 : index
        %get3A_225 = tpu.vector_load %arg9[%get3A_223, %get3A_224] {strides = array<i32>} : memref<256x32xf32, #tpu.memory_space<vmem>>, vector<16xf32>,
        %get3A_226 = arith.index_cast %add3A_222 : i32 to index
        %get3A_227 = arith.constant 16 : index
        %get3A_228 = tpu.vector_load %arg9[%get3A_226, %get3A_227] {strides = array<i32>} : memref<256x32xf32, #tpu.memory_space<vmem>>, vector<16xf32>,
        %get3A_229 = arith.index_cast %add3A_222 : i32 to index
        %get3A_230 = arith.constant 0 : index
        %get3A_231 = tpu.vector_load %arg10[%get3A_229, %get3A_230] {strides = array<i32>} : memref<256x32xf32, #tpu.memory_space<vmem>>, vector<16xf32>,
        %get3A_232 = arith.index_cast %add3A_222 : i32 to index
        %get3A_233 = arith.constant 16 : index
        %get3A_234 = tpu.vector_load %arg10[%get3A_232, %get3A_233] {strides = array<i32>} : memref<256x32xf32, #tpu.memory_space<vmem>>, vector<16xf32>,
        %mul3A_235 = arith.mulf %get3A_225, %get3A_231 : vector<16xf32>
        %mul3A_236 = arith.mulf %get3A_228, %get3A_234 : vector<16xf32>
        %add3A_237 = arith.addf %mul3A_235, %mul3A_236 : vector<16xf32>
        %mul3A_238 = arith.constant 16 : i32
        %mul3A_239 = arith.muli %scan3A_67, %mul3A_238 : i32
        %add3A_240 = arith.constant 9 : i32
        %add3A_241 = arith.addi %mul3A_239, %add3A_240 : i32
        %get3A_242 = arith.index_cast %add3A_241 : i32 to index
        %get3A_243 = arith.constant 0 : index
        %get3A_244 = tpu.vector_load %arg9[%get3A_242, %get3A_243] {strides = array<i32>} : memref<256x32xf32, #tpu.memory_space<vmem>>, vector<16xf32>,
        %get3A_245 = arith.index_cast %add3A_241 : i32 to index
        %get3A_246 = arith.constant 16 : index
        %get3A_247 = tpu.vector_load %arg9[%get3A_245, %get3A_246] {strides = array<i32>} : memref<256x32xf32, #tpu.memory_space<vmem>>, vector<16xf32>,
        %get3A_248 = arith.index_cast %add3A_241 : i32 to index
        %get3A_249 = arith.constant 0 : index
        %get3A_250 = tpu.vector_load %arg10[%get3A_248, %get3A_249] {strides = array<i32>} : memref<256x32xf32, #tpu.memory_space<vmem>>, vector<16xf32>,
        %get3A_251 = arith.index_cast %add3A_241 : i32 to index
        %get3A_252 = arith.constant 16 : index
        %get3A_253 = tpu.vector_load %arg10[%get3A_251, %get3A_252] {strides = array<i32>} : memref<256x32xf32, #tpu.memory_space<vmem>>, vector<16xf32>,
        %mul3A_254 = arith.mulf %get3A_244, %get3A_250 : vector<16xf32>
        %mul3A_255 = arith.mulf %get3A_247, %get3A_253 : vector<16xf32>
        %add3A_256 = arith.addf %mul3A_254, %mul3A_255 : vector<16xf32>
        %mul3A_257 = arith.constant 16 : i32
        %mul3A_258 = arith.muli %scan3A_67, %mul3A_257 : i32
        %add3A_259 = arith.constant 10 : i32
        %add3A_260 = arith.addi %mul3A_258, %add3A_259 : i32
        %get3A_261 = arith.index_cast %add3A_260 : i32 to index
        %get3A_262 = arith.constant 0 : index
        %get3A_263 = tpu.vector_load %arg9[%get3A_261, %get3A_262] {strides = array<i32>} : memref<256x32xf32, #tpu.memory_space<vmem>>, vector<16xf32>,
        %get3A_264 = arith.index_cast %add3A_260 : i32 to index
        %get3A_265 = arith.constant 16 : index
        %get3A_266 = tpu.vector_load %arg9[%get3A_264, %get3A_265] {strides = array<i32>} : memref<256x32xf32, #tpu.memory_space<vmem>>, vector<16xf32>,
        %get3A_267 = arith.index_cast %add3A_260 : i32 to index
        %get3A_268 = arith.constant 0 : index
        %get3A_269 = tpu.vector_load %arg10[%get3A_267, %get3A_268] {strides = array<i32>} : memref<256x32xf32, #tpu.memory_space<vmem>>, vector<16xf32>,
        %get3A_270 = arith.index_cast %add3A_260 : i32 to index
        %get3A_271 = arith.constant 16 : index
        %get3A_272 = tpu.vector_load %arg10[%get3A_270, %get3A_271] {strides = array<i32>} : memref<256x32xf32, #tpu.memory_space<vmem>>, vector<16xf32>,
        %mul3A_273 = arith.mulf %get3A_263, %get3A_269 : vector<16xf32>
        %mul3A_274 = arith.mulf %get3A_266, %get3A_272 : vector<16xf32>
        %add3A_275 = arith.addf %mul3A_273, %mul3A_274 : vector<16xf32>
        %mul3A_276 = arith.constant 16 : i32
        %mul3A_277 = arith.muli %scan3A_67, %mul3A_276 : i32
        %add3A_278 = arith.constant 11 : i32
        %add3A_279 = arith.addi %mul3A_277, %add3A_278 : i32
        %get3A_280 = arith.index_cast %add3A_279 : i32 to index
        %get3A_281 = arith.constant 0 : index
        %get3A_282 = tpu.vector_load %arg9[%get3A_280, %get3A_281] {strides = array<i32>} : memref<256x32xf32, #tpu.memory_space<vmem>>, vector<16xf32>,
        %get3A_283 = arith.index_cast %add3A_279 : i32 to index
        %get3A_284 = arith.constant 16 : index
        %get3A_285 = tpu.vector_load %arg9[%get3A_283, %get3A_284] {strides = array<i32>} : memref<256x32xf32, #tpu.memory_space<vmem>>, vector<16xf32>,
        %get3A_286 = arith.index_cast %add3A_279 : i32 to index
        %get3A_287 = arith.constant 0 : index
        %get3A_288 = tpu.vector_load %arg10[%get3A_286, %get3A_287] {strides = array<i32>} : memref<256x32xf32, #tpu.memory_space<vmem>>, vector<16xf32>,
        %get3A_289 = arith.index_cast %add3A_279 : i32 to index
        %get3A_290 = arith.constant 16 : index
        %get3A_291 = tpu.vector_load %arg10[%get3A_289, %get3A_290] {strides = array<i32>} : memref<256x32xf32, #tpu.memory_space<vmem>>, vector<16xf32>,
        %mul3A_292 = arith.mulf %get3A_282, %get3A_288 : vector<16xf32>
        %mul3A_293 = arith.mulf %get3A_285, %get3A_291 : vector<16xf32>
        %add3A_294 = arith.addf %mul3A_292, %mul3A_293 : vector<16xf32>
        %mul3A_295 = arith.constant 16 : i32
        %mul3A_296 = arith.muli %scan3A_67, %mul3A_295 : i32
        %add3A_297 = arith.constant 12 : i32
        %add3A_298 = arith.addi %mul3A_296, %add3A_297 : i32
        %get3A_299 = arith.index_cast %add3A_298 : i32 to index
        %get3A_300 = arith.constant 0 : index
        %get3A_301 = tpu.vector_load %arg9[%get3A_299, %get3A_300] {strides = array<i32>} : memref<256x32xf32, #tpu.memory_space<vmem>>, vector<16xf32>,
        %get3A_302 = arith.index_cast %add3A_298 : i32 to index
        %get3A_303 = arith.constant 16 : index
        %get3A_304 = tpu.vector_load %arg9[%get3A_302, %get3A_303] {strides = array<i32>} : memref<256x32xf32, #tpu.memory_space<vmem>>, vector<16xf32>,
        %get3A_305 = arith.index_cast %add3A_298 : i32 to index
        %get3A_306 = arith.constant 0 : index
        %get3A_307 = tpu.vector_load %arg10[%get3A_305, %get3A_306] {strides = array<i32>} : memref<256x32xf32, #tpu.memory_space<vmem>>, vector<16xf32>,
        %get3A_308 = arith.index_cast %add3A_298 : i32 to index
        %get3A_309 = arith.constant 16 : index
        %get3A_310 = tpu.vector_load %arg10[%get3A_308, %get3A_309] {strides = array<i32>} : memref<256x32xf32, #tpu.memory_space<vmem>>, vector<16xf32>,
        %mul3A_311 = arith.mulf %get3A_301, %get3A_307 : vector<16xf32>
        %mul3A_312 = arith.mulf %get3A_304, %get3A_310 : vector<16xf32>
        %add3A_313 = arith.addf %mul3A_311, %mul3A_312 : vector<16xf32>
        %mul3A_314 = arith.constant 16 : i32
        %mul3A_315 = arith.muli %scan3A_67, %mul3A_314 : i32
        %add3A_316 = arith.constant 13 : i32
        %add3A_317 = arith.addi %mul3A_315, %add3A_316 : i32
        %get3A_318 = arith.index_cast %add3A_317 : i32 to index
        %get3A_319 = arith.constant 0 : index
        %get3A_320 = tpu.vector_load %arg9[%get3A_318, %get3A_319] {strides = array<i32>} : memref<256x32xf32, #tpu.memory_space<vmem>>, vector<16xf32>,
        %get3A_321 = arith.index_cast %add3A_317 : i32 to index
        %get3A_322 = arith.constant 16 : index
        %get3A_323 = tpu.vector_load %arg9[%get3A_321, %get3A_322] {strides = array<i32>} : memref<256x32xf32, #tpu.memory_space<vmem>>, vector<16xf32>,
        %get3A_324 = arith.index_cast %add3A_317 : i32 to index
        %get3A_325 = arith.constant 0 : index
        %get3A_326 = tpu.vector_load %arg10[%get3A_324, %get3A_325] {strides = array<i32>} : memref<256x32xf32, #tpu.memory_space<vmem>>, vector<16xf32>,
        %get3A_327 = arith.index_cast %add3A_317 : i32 to index
        %get3A_328 = arith.constant 16 : index
        %get3A_329 = tpu.vector_load %arg10[%get3A_327, %get3A_328] {strides = array<i32>} : memref<256x32xf32, #tpu.memory_space<vmem>>, vector<16xf32>,
        %mul3A_330 = arith.mulf %get3A_320, %get3A_326 : vector<16xf32>
        %mul3A_331 = arith.mulf %get3A_323, %get3A_329 : vector<16xf32>
        %add3A_332 = arith.addf %mul3A_330, %mul3A_331 : vector<16xf32>
        %mul3A_333 = arith.constant 16 : i32
        %mul3A_334 = arith.muli %scan3A_67, %mul3A_333 : i32
        %add3A_335 = arith.constant 14 : i32
        %add3A_336 = arith.addi %mul3A_334, %add3A_335 : i32
        %get3A_337 = arith.index_cast %add3A_336 : i32 to index
        %get3A_338 = arith.constant 0 : index
        %get3A_339 = tpu.vector_load %arg9[%get3A_337, %get3A_338] {strides = array<i32>} : memref<256x32xf32, #tpu.memory_space<vmem>>, vector<16xf32>,
        %get3A_340 = arith.index_cast %add3A_336 : i32 to index
        %get3A_341 = arith.constant 16 : index
        %get3A_342 = tpu.vector_load %arg9[%get3A_340, %get3A_341] {strides = array<i32>} : memref<256x32xf32, #tpu.memory_space<vmem>>, vector<16xf32>,
        %get3A_343 = arith.index_cast %add3A_336 : i32 to index
        %get3A_344 = arith.constant 0 : index
        %get3A_345 = tpu.vector_load %arg10[%get3A_343, %get3A_344] {strides = array<i32>} : memref<256x32xf32, #tpu.memory_space<vmem>>, vector<16xf32>,
        %get3A_346 = arith.index_cast %add3A_336 : i32 to index
        %get3A_347 = arith.constant 16 : index
        %get3A_348 = tpu.vector_load %arg10[%get3A_346, %get3A_347] {strides = array<i32>} : memref<256x32xf32, #tpu.memory_space<vmem>>, vector<16xf32>,
        %mul3A_349 = arith.mulf %get3A_339, %get3A_345 : vector<16xf32>
        %mul3A_350 = arith.mulf %get3A_342, %get3A_348 : vector<16xf32>
        %add3A_351 = arith.addf %mul3A_349, %mul3A_350 : vector<16xf32>
        %mul3A_352 = arith.constant 16 : i32
        %mul3A_353 = arith.muli %scan3A_67, %mul3A_352 : i32
        %add3A_354 = arith.constant 15 : i32
        %add3A_355 = arith.addi %mul3A_353, %add3A_354 : i32
        %get3A_356 = arith.index_cast %add3A_355 : i32 to index
        %get3A_357 = arith.constant 0 : index
        %get3A_358 = tpu.vector_load %arg9[%get3A_356, %get3A_357] {strides = array<i32>} : memref<256x32xf32, #tpu.memory_space<vmem>>, vector<16xf32>,
        %get3A_359 = arith.index_cast %add3A_355 : i32 to index
        %get3A_360 = arith.constant 16 : index
        %get3A_361 = tpu.vector_load %arg9[%get3A_359, %get3A_360] {strides = array<i32>} : memref<256x32xf32, #tpu.memory_space<vmem>>, vector<16xf32>,
        %get3A_362 = arith.index_cast %add3A_355 : i32 to index
        %get3A_363 = arith.constant 0 : index
        %get3A_364 = tpu.vector_load %arg10[%get3A_362, %get3A_363] {strides = array<i32>} : memref<256x32xf32, #tpu.memory_space<vmem>>, vector<16xf32>,
        %get3A_365 = arith.index_cast %add3A_355 : i32 to index
        %get3A_366 = arith.constant 16 : index
        %get3A_367 = tpu.vector_load %arg10[%get3A_365, %get3A_366] {strides = array<i32>} : memref<256x32xf32, #tpu.memory_space<vmem>>, vector<16xf32>,
        %mul3A_368 = arith.mulf %get3A_358, %get3A_364 : vector<16xf32>
        %mul3A_369 = arith.mulf %get3A_361, %get3A_367 : vector<16xf32>
        %add3A_370 = arith.addf %mul3A_368, %mul3A_369 : vector<16xf32>
        %lt3A = arith.constant 0 : i32
        %lt3A_371 = vector.broadcast %lt3A : i32 to vector<16xi32>
        %lt3A_372 = arith.cmpi slt, %xor3A_4, %lt3A_371 : vector<16xi32>
        %add3A_373 = arith.constant 16 : i32
        %add3A_374 = vector.broadcast %add3A_373 : i32 to vector<16xi32>
        %add3A_375 = arith.addi %xor3A_4, %add3A_374 : vector<16xi32>
        %select_n3A = arith.select %lt3A_372, %add3A_375, %xor3A_4 : vector<16xi1>, vector<16xi32>
        %broadcast_in_dim3A = vector.shape_cast %select_n3A : vector<16xi32> to vector<16x1xi32>
        %gather3A = vector.shape_cast %broadcast_in_dim3A : vector<16x1xi32> to vector<16xi32>
        %gather3A_376 = tpu.dynamic_gather %add3A_85[%gather3A] in [0] : vector<16xf32>, vector<16xi32> -> vector<16xf32>
        %add3A_377 = arith.addf %add3A_85, %gather3A_376 : vector<16xf32>
        %lt3A_378 = arith.constant 0 : i32
        %lt3A_379 = vector.broadcast %lt3A_378 : i32 to vector<16xi32>
        %lt3A_380 = arith.cmpi slt, %xor3A_4, %lt3A_379 : vector<16xi32>
        %add3A_381 = arith.constant 16 : i32
        %add3A_382 = vector.broadcast %add3A_381 : i32 to vector<16xi32>
        %add3A_383 = arith.addi %xor3A_4, %add3A_382 : vector<16xi32>
        %select_n3A_384 = arith.select %lt3A_380, %add3A_383, %xor3A_4 : vector<16xi1>, vector<16xi32>
        %broadcast_in_dim3A_385 = vector.shape_cast %select_n3A_384 : vector<16xi32> to vector<16x1xi32>
        %gather3A_386 = vector.shape_cast %broadcast_in_dim3A_385 : vector<16x1xi32> to vector<16xi32>
        %gather3A_387 = tpu.dynamic_gather %add3A_104[%gather3A_386] in [0] : vector<16xf32>, vector<16xi32> -> vector<16xf32>
        %add3A_388 = arith.addf %add3A_104, %gather3A_387 : vector<16xf32>
        %select_n3A_389 = arith.select %ne3A_17, %add3A_388, %add3A_377 : vector<16xi1>, vector<16xf32>
        %lt3A_390 = arith.constant 0 : i32
        %lt3A_391 = vector.broadcast %lt3A_390 : i32 to vector<16xi32>
        %lt3A_392 = arith.cmpi slt, %xor3A_4, %lt3A_391 : vector<16xi32>
        %add3A_393 = arith.constant 16 : i32
        %add3A_394 = vector.broadcast %add3A_393 : i32 to vector<16xi32>
        %add3A_395 = arith.addi %xor3A_4, %add3A_394 : vector<16xi32>
        %select_n3A_396 = arith.select %lt3A_392, %add3A_395, %xor3A_4 : vector<16xi1>, vector<16xi32>
        %broadcast_in_dim3A_397 = vector.shape_cast %select_n3A_396 : vector<16xi32> to vector<16x1xi32>
        %gather3A_398 = vector.shape_cast %broadcast_in_dim3A_397 : vector<16x1xi32> to vector<16xi32>
        %gather3A_399 = tpu.dynamic_gather %add3A_123[%gather3A_398] in [0] : vector<16xf32>, vector<16xi32> -> vector<16xf32>
        %add3A_400 = arith.addf %add3A_123, %gather3A_399 : vector<16xf32>
        %lt3A_401 = arith.constant 0 : i32
        %lt3A_402 = vector.broadcast %lt3A_401 : i32 to vector<16xi32>
        %lt3A_403 = arith.cmpi slt, %xor3A_4, %lt3A_402 : vector<16xi32>
        %add3A_404 = arith.constant 16 : i32
        %add3A_405 = vector.broadcast %add3A_404 : i32 to vector<16xi32>
        %add3A_406 = arith.addi %xor3A_4, %add3A_405 : vector<16xi32>
        %select_n3A_407 = arith.select %lt3A_403, %add3A_406, %xor3A_4 : vector<16xi1>, vector<16xi32>
        %broadcast_in_dim3A_408 = vector.shape_cast %select_n3A_407 : vector<16xi32> to vector<16x1xi32>
        %gather3A_409 = vector.shape_cast %broadcast_in_dim3A_408 : vector<16x1xi32> to vector<16xi32>
        %gather3A_410 = tpu.dynamic_gather %add3A_142[%gather3A_409] in [0] : vector<16xf32>, vector<16xi32> -> vector<16xf32>
        %add3A_411 = arith.addf %add3A_142, %gather3A_410 : vector<16xf32>
        %select_n3A_412 = arith.select %ne3A_17, %add3A_411, %add3A_400 : vector<16xi1>, vector<16xf32>
        %lt3A_413 = arith.constant 0 : i32
        %lt3A_414 = vector.broadcast %lt3A_413 : i32 to vector<16xi32>
        %lt3A_415 = arith.cmpi slt, %xor3A_4, %lt3A_414 : vector<16xi32>
        %add3A_416 = arith.constant 16 : i32
        %add3A_417 = vector.broadcast %add3A_416 : i32 to vector<16xi32>
        %add3A_418 = arith.addi %xor3A_4, %add3A_417 : vector<16xi32>
        %select_n3A_419 = arith.select %lt3A_415, %add3A_418, %xor3A_4 : vector<16xi1>, vector<16xi32>
        %broadcast_in_dim3A_420 = vector.shape_cast %select_n3A_419 : vector<16xi32> to vector<16x1xi32>
        %gather3A_421 = vector.shape_cast %broadcast_in_dim3A_420 : vector<16x1xi32> to vector<16xi32>
        %gather3A_422 = tpu.dynamic_gather %add3A_161[%gather3A_421] in [0] : vector<16xf32>, vector<16xi32> -> vector<16xf32>
        %add3A_423 = arith.addf %add3A_161, %gather3A_422 : vector<16xf32>
        %lt3A_424 = arith.constant 0 : i32
        %lt3A_425 = vector.broadcast %lt3A_424 : i32 to vector<16xi32>
        %lt3A_426 = arith.cmpi slt, %xor3A_4, %lt3A_425 : vector<16xi32>
        %add3A_427 = arith.constant 16 : i32
        %add3A_428 = vector.broadcast %add3A_427 : i32 to vector<16xi32>
        %add3A_429 = arith.addi %xor3A_4, %add3A_428 : vector<16xi32>
        %select_n3A_430 = arith.select %lt3A_426, %add3A_429, %xor3A_4 : vector<16xi1>, vector<16xi32>
        %broadcast_in_dim3A_431 = vector.shape_cast %select_n3A_430 : vector<16xi32> to vector<16x1xi32>
        %gather3A_432 = vector.shape_cast %broadcast_in_dim3A_431 : vector<16x1xi32> to vector<16xi32>
        %gather3A_433 = tpu.dynamic_gather %add3A_180[%gather3A_432] in [0] : vector<16xf32>, vector<16xi32> -> vector<16xf32>
        %add3A_434 = arith.addf %add3A_180, %gather3A_433 : vector<16xf32>
        %select_n3A_435 = arith.select %ne3A_17, %add3A_434, %add3A_423 : vector<16xi1>, vector<16xf32>
        %lt3A_436 = arith.constant 0 : i32
        %lt3A_437 = vector.broadcast %lt3A_436 : i32 to vector<16xi32>
        %lt3A_438 = arith.cmpi slt, %xor3A_4, %lt3A_437 : vector<16xi32>
        %add3A_439 = arith.constant 16 : i32
        %add3A_440 = vector.broadcast %add3A_439 : i32 to vector<16xi32>
        %add3A_441 = arith.addi %xor3A_4, %add3A_440 : vector<16xi32>
        %select_n3A_442 = arith.select %lt3A_438, %add3A_441, %xor3A_4 : vector<16xi1>, vector<16xi32>
        %broadcast_in_dim3A_443 = vector.shape_cast %select_n3A_442 : vector<16xi32> to vector<16x1xi32>
        %gather3A_444 = vector.shape_cast %broadcast_in_dim3A_443 : vector<16x1xi32> to vector<16xi32>
        %gather3A_445 = tpu.dynamic_gather %add3A_199[%gather3A_444] in [0] : vector<16xf32>, vector<16xi32> -> vector<16xf32>
        %add3A_446 = arith.addf %add3A_199, %gather3A_445 : vector<16xf32>
        %lt3A_447 = arith.constant 0 : i32
        %lt3A_448 = vector.broadcast %lt3A_447 : i32 to vector<16xi32>
        %lt3A_449 = arith.cmpi slt, %xor3A_4, %lt3A_448 : vector<16xi32>
        %add3A_450 = arith.constant 16 : i32
        %add3A_451 = vector.broadcast %add3A_450 : i32 to vector<16xi32>
        %add3A_452 = arith.addi %xor3A_4, %add3A_451 : vector<16xi32>
        %select_n3A_453 = arith.select %lt3A_449, %add3A_452, %xor3A_4 : vector<16xi1>, vector<16xi32>
        %broadcast_in_dim3A_454 = vector.shape_cast %select_n3A_453 : vector<16xi32> to vector<16x1xi32>
        %gather3A_455 = vector.shape_cast %broadcast_in_dim3A_454 : vector<16x1xi32> to vector<16xi32>
        %gather3A_456 = tpu.dynamic_gather %add3A_218[%gather3A_455] in [0] : vector<16xf32>, vector<16xi32> -> vector<16xf32>
        %add3A_457 = arith.addf %add3A_218, %gather3A_456 : vector<16xf32>
        %select_n3A_458 = arith.select %ne3A_17, %add3A_457, %add3A_446 : vector<16xi1>, vector<16xf32>
        %lt3A_459 = arith.constant 0 : i32
        %lt3A_460 = vector.broadcast %lt3A_459 : i32 to vector<16xi32>
        %lt3A_461 = arith.cmpi slt, %xor3A_4, %lt3A_460 : vector<16xi32>
        %add3A_462 = arith.constant 16 : i32
        %add3A_463 = vector.broadcast %add3A_462 : i32 to vector<16xi32>
        %add3A_464 = arith.addi %xor3A_4, %add3A_463 : vector<16xi32>
        %select_n3A_465 = arith.select %lt3A_461, %add3A_464, %xor3A_4 : vector<16xi1>, vector<16xi32>
        %broadcast_in_dim3A_466 = vector.shape_cast %select_n3A_465 : vector<16xi32> to vector<16x1xi32>
        %gather3A_467 = vector.shape_cast %broadcast_in_dim3A_466 : vector<16x1xi32> to vector<16xi32>
        %gather3A_468 = tpu.dynamic_gather %add3A_237[%gather3A_467] in [0] : vector<16xf32>, vector<16xi32> -> vector<16xf32>
        %add3A_469 = arith.addf %add3A_237, %gather3A_468 : vector<16xf32>
        %lt3A_470 = arith.constant 0 : i32
        %lt3A_471 = vector.broadcast %lt3A_470 : i32 to vector<16xi32>
        %lt3A_472 = arith.cmpi slt, %xor3A_4, %lt3A_471 : vector<16xi32>
        %add3A_473 = arith.constant 16 : i32
        %add3A_474 = vector.broadcast %add3A_473 : i32 to vector<16xi32>
        %add3A_475 = arith.addi %xor3A_4, %add3A_474 : vector<16xi32>
        %select_n3A_476 = arith.select %lt3A_472, %add3A_475, %xor3A_4 : vector<16xi1>, vector<16xi32>
        %broadcast_in_dim3A_477 = vector.shape_cast %select_n3A_476 : vector<16xi32> to vector<16x1xi32>
        %gather3A_478 = vector.shape_cast %broadcast_in_dim3A_477 : vector<16x1xi32> to vector<16xi32>
        %gather3A_479 = tpu.dynamic_gather %add3A_256[%gather3A_478] in [0] : vector<16xf32>, vector<16xi32> -> vector<16xf32>
        %add3A_480 = arith.addf %add3A_256, %gather3A_479 : vector<16xf32>
        %select_n3A_481 = arith.select %ne3A_17, %add3A_480, %add3A_469 : vector<16xi1>, vector<16xf32>
        %lt3A_482 = arith.constant 0 : i32
        %lt3A_483 = vector.broadcast %lt3A_482 : i32 to vector<16xi32>
        %lt3A_484 = arith.cmpi slt, %xor3A_4, %lt3A_483 : vector<16xi32>
        %add3A_485 = arith.constant 16 : i32
        %add3A_486 = vector.broadcast %add3A_485 : i32 to vector<16xi32>
        %add3A_487 = arith.addi %xor3A_4, %add3A_486 : vector<16xi32>
        %select_n3A_488 = arith.select %lt3A_484, %add3A_487, %xor3A_4 : vector<16xi1>, vector<16xi32>
        %broadcast_in_dim3A_489 = vector.shape_cast %select_n3A_488 : vector<16xi32> to vector<16x1xi32>
        %gather3A_490 = vector.shape_cast %broadcast_in_dim3A_489 : vector<16x1xi32> to vector<16xi32>
        %gather3A_491 = tpu.dynamic_gather %add3A_275[%gather3A_490] in [0] : vector<16xf32>, vector<16xi32> -> vector<16xf32>
        %add3A_492 = arith.addf %add3A_275, %gather3A_491 : vector<16xf32>
        %lt3A_493 = arith.constant 0 : i32
        %lt3A_494 = vector.broadcast %lt3A_493 : i32 to vector<16xi32>
        %lt3A_495 = arith.cmpi slt, %xor3A_4, %lt3A_494 : vector<16xi32>
        %add3A_496 = arith.constant 16 : i32
        %add3A_497 = vector.broadcast %add3A_496 : i32 to vector<16xi32>
        %add3A_498 = arith.addi %xor3A_4, %add3A_497 : vector<16xi32>
        %select_n3A_499 = arith.select %lt3A_495, %add3A_498, %xor3A_4 : vector<16xi1>, vector<16xi32>
        %broadcast_in_dim3A_500 = vector.shape_cast %select_n3A_499 : vector<16xi32> to vector<16x1xi32>
        %gather3A_501 = vector.shape_cast %broadcast_in_dim3A_500 : vector<16x1xi32> to vector<16xi32>
        %gather3A_502 = tpu.dynamic_gather %add3A_294[%gather3A_501] in [0] : vector<16xf32>, vector<16xi32> -> vector<16xf32>
        %add3A_503 = arith.addf %add3A_294, %gather3A_502 : vector<16xf32>
        %select_n3A_504 = arith.select %ne3A_17, %add3A_503, %add3A_492 : vector<16xi1>, vector<16xf32>
        %lt3A_505 = arith.constant 0 : i32
        %lt3A_506 = vector.broadcast %lt3A_505 : i32 to vector<16xi32>
        %lt3A_507 = arith.cmpi slt, %xor3A_4, %lt3A_506 : vector<16xi32>
        %add3A_508 = arith.constant 16 : i32
        %add3A_509 = vector.broadcast %add3A_508 : i32 to vector<16xi32>
        %add3A_510 = arith.addi %xor3A_4, %add3A_509 : vector<16xi32>
        %select_n3A_511 = arith.select %lt3A_507, %add3A_510, %xor3A_4 : vector<16xi1>, vector<16xi32>
        %broadcast_in_dim3A_512 = vector.shape_cast %select_n3A_511 : vector<16xi32> to vector<16x1xi32>
        %gather3A_513 = vector.shape_cast %broadcast_in_dim3A_512 : vector<16x1xi32> to vector<16xi32>
        %gather3A_514 = tpu.dynamic_gather %add3A_313[%gather3A_513] in [0] : vector<16xf32>, vector<16xi32> -> vector<16xf32>
        %add3A_515 = arith.addf %add3A_313, %gather3A_514 : vector<16xf32>
        %lt3A_516 = arith.constant 0 : i32
        %lt3A_517 = vector.broadcast %lt3A_516 : i32 to vector<16xi32>
        %lt3A_518 = arith.cmpi slt, %xor3A_4, %lt3A_517 : vector<16xi32>
        %add3A_519 = arith.constant 16 : i32
        %add3A_520 = vector.broadcast %add3A_519 : i32 to vector<16xi32>
        %add3A_521 = arith.addi %xor3A_4, %add3A_520 : vector<16xi32>
        %select_n3A_522 = arith.select %lt3A_518, %add3A_521, %xor3A_4 : vector<16xi1>, vector<16xi32>
        %broadcast_in_dim3A_523 = vector.shape_cast %select_n3A_522 : vector<16xi32> to vector<16x1xi32>
        %gather3A_524 = vector.shape_cast %broadcast_in_dim3A_523 : vector<16x1xi32> to vector<16xi32>
        %gather3A_525 = tpu.dynamic_gather %add3A_332[%gather3A_524] in [0] : vector<16xf32>, vector<16xi32> -> vector<16xf32>
        %add3A_526 = arith.addf %add3A_332, %gather3A_525 : vector<16xf32>
        %select_n3A_527 = arith.select %ne3A_17, %add3A_526, %add3A_515 : vector<16xi1>, vector<16xf32>
        %lt3A_528 = arith.constant 0 : i32
        %lt3A_529 = vector.broadcast %lt3A_528 : i32 to vector<16xi32>
        %lt3A_530 = arith.cmpi slt, %xor3A_4, %lt3A_529 : vector<16xi32>
        %add3A_531 = arith.constant 16 : i32
        %add3A_532 = vector.broadcast %add3A_531 : i32 to vector<16xi32>
        %add3A_533 = arith.addi %xor3A_4, %add3A_532 : vector<16xi32>
        %select_n3A_534 = arith.select %lt3A_530, %add3A_533, %xor3A_4 : vector<16xi1>, vector<16xi32>
        %broadcast_in_dim3A_535 = vector.shape_cast %select_n3A_534 : vector<16xi32> to vector<16x1xi32>
        %gather3A_536 = vector.shape_cast %broadcast_in_dim3A_535 : vector<16x1xi32> to vector<16xi32>
        %gather3A_537 = tpu.dynamic_gather %add3A_351[%gather3A_536] in [0] : vector<16xf32>, vector<16xi32> -> vector<16xf32>
        %add3A_538 = arith.addf %add3A_351, %gather3A_537 : vector<16xf32>
        %lt3A_539 = arith.constant 0 : i32
        %lt3A_540 = vector.broadcast %lt3A_539 : i32 to vector<16xi32>
        %lt3A_541 = arith.cmpi slt, %xor3A_4, %lt3A_540 : vector<16xi32>
        %add3A_542 = arith.constant 16 : i32
        %add3A_543 = vector.broadcast %add3A_542 : i32 to vector<16xi32>
        %add3A_544 = arith.addi %xor3A_4, %add3A_543 : vector<16xi32>
        %select_n3A_545 = arith.select %lt3A_541, %add3A_544, %xor3A_4 : vector<16xi1>, vector<16xi32>
        %broadcast_in_dim3A_546 = vector.shape_cast %select_n3A_545 : vector<16xi32> to vector<16x1xi32>
        %gather3A_547 = vector.shape_cast %broadcast_in_dim3A_546 : vector<16x1xi32> to vector<16xi32>
        %gather3A_548 = tpu.dynamic_gather %add3A_370[%gather3A_547] in [0] : vector<16xf32>, vector<16xi32> -> vector<16xf32>
        %add3A_549 = arith.addf %add3A_370, %gather3A_548 : vector<16xf32>
        %select_n3A_550 = arith.select %ne3A_17, %add3A_549, %add3A_538 : vector<16xi1>, vector<16xf32>
        %lt3A_551 = arith.constant 0 : i32
        %lt3A_552 = vector.broadcast %lt3A_551 : i32 to vector<16xi32>
        %lt3A_553 = arith.cmpi slt, %xor3A_7, %lt3A_552 : vector<16xi32>
        %add3A_554 = arith.constant 16 : i32
        %add3A_555 = vector.broadcast %add3A_554 : i32 to vector<16xi32>
        %add3A_556 = arith.addi %xor3A_7, %add3A_555 : vector<16xi32>
        %select_n3A_557 = arith.select %lt3A_553, %add3A_556, %xor3A_7 : vector<16xi1>, vector<16xi32>
        %broadcast_in_dim3A_558 = vector.shape_cast %select_n3A_557 : vector<16xi32> to vector<16x1xi32>
        %gather3A_559 = vector.shape_cast %broadcast_in_dim3A_558 : vector<16x1xi32> to vector<16xi32>
        %gather3A_560 = tpu.dynamic_gather %select_n3A_389[%gather3A_559] in [0] : vector<16xf32>, vector<16xi32> -> vector<16xf32>
        %add3A_561 = arith.addf %select_n3A_389, %gather3A_560 : vector<16xf32>
        %lt3A_562 = arith.constant 0 : i32
        %lt3A_563 = vector.broadcast %lt3A_562 : i32 to vector<16xi32>
        %lt3A_564 = arith.cmpi slt, %xor3A_7, %lt3A_563 : vector<16xi32>
        %add3A_565 = arith.constant 16 : i32
        %add3A_566 = vector.broadcast %add3A_565 : i32 to vector<16xi32>
        %add3A_567 = arith.addi %xor3A_7, %add3A_566 : vector<16xi32>
        %select_n3A_568 = arith.select %lt3A_564, %add3A_567, %xor3A_7 : vector<16xi1>, vector<16xi32>
        %broadcast_in_dim3A_569 = vector.shape_cast %select_n3A_568 : vector<16xi32> to vector<16x1xi32>
        %gather3A_570 = vector.shape_cast %broadcast_in_dim3A_569 : vector<16x1xi32> to vector<16xi32>
        %gather3A_571 = tpu.dynamic_gather %select_n3A_412[%gather3A_570] in [0] : vector<16xf32>, vector<16xi32> -> vector<16xf32>
        %add3A_572 = arith.addf %select_n3A_412, %gather3A_571 : vector<16xf32>
        %select_n3A_573 = arith.select %ne3A_23, %add3A_572, %add3A_561 : vector<16xi1>, vector<16xf32>
        %lt3A_574 = arith.constant 0 : i32
        %lt3A_575 = vector.broadcast %lt3A_574 : i32 to vector<16xi32>
        %lt3A_576 = arith.cmpi slt, %xor3A_7, %lt3A_575 : vector<16xi32>
        %add3A_577 = arith.constant 16 : i32
        %add3A_578 = vector.broadcast %add3A_577 : i32 to vector<16xi32>
        %add3A_579 = arith.addi %xor3A_7, %add3A_578 : vector<16xi32>
        %select_n3A_580 = arith.select %lt3A_576, %add3A_579, %xor3A_7 : vector<16xi1>, vector<16xi32>
        %broadcast_in_dim3A_581 = vector.shape_cast %select_n3A_580 : vector<16xi32> to vector<16x1xi32>
        %gather3A_582 = vector.shape_cast %broadcast_in_dim3A_581 : vector<16x1xi32> to vector<16xi32>
        %gather3A_583 = tpu.dynamic_gather %select_n3A_435[%gather3A_582] in [0] : vector<16xf32>, vector<16xi32> -> vector<16xf32>
        %add3A_584 = arith.addf %select_n3A_435, %gather3A_583 : vector<16xf32>
        %lt3A_585 = arith.constant 0 : i32
        %lt3A_586 = vector.broadcast %lt3A_585 : i32 to vector<16xi32>
        %lt3A_587 = arith.cmpi slt, %xor3A_7, %lt3A_586 : vector<16xi32>
        %add3A_588 = arith.constant 16 : i32
        %add3A_589 = vector.broadcast %add3A_588 : i32 to vector<16xi32>
        %add3A_590 = arith.addi %xor3A_7, %add3A_589 : vector<16xi32>
        %select_n3A_591 = arith.select %lt3A_587, %add3A_590, %xor3A_7 : vector<16xi1>, vector<16xi32>
        %broadcast_in_dim3A_592 = vector.shape_cast %select_n3A_591 : vector<16xi32> to vector<16x1xi32>
        %gather3A_593 = vector.shape_cast %broadcast_in_dim3A_592 : vector<16x1xi32> to vector<16xi32>
        %gather3A_594 = tpu.dynamic_gather %select_n3A_458[%gather3A_593] in [0] : vector<16xf32>, vector<16xi32> -> vector<16xf32>
        %add3A_595 = arith.addf %select_n3A_458, %gather3A_594 : vector<16xf32>
        %select_n3A_596 = arith.select %ne3A_23, %add3A_595, %add3A_584 : vector<16xi1>, vector<16xf32>
        %lt3A_597 = arith.constant 0 : i32
        %lt3A_598 = vector.broadcast %lt3A_597 : i32 to vector<16xi32>
        %lt3A_599 = arith.cmpi slt, %xor3A_7, %lt3A_598 : vector<16xi32>
        %add3A_600 = arith.constant 16 : i32
        %add3A_601 = vector.broadcast %add3A_600 : i32 to vector<16xi32>
        %add3A_602 = arith.addi %xor3A_7, %add3A_601 : vector<16xi32>
        %select_n3A_603 = arith.select %lt3A_599, %add3A_602, %xor3A_7 : vector<16xi1>, vector<16xi32>
        %broadcast_in_dim3A_604 = vector.shape_cast %select_n3A_603 : vector<16xi32> to vector<16x1xi32>
        %gather3A_605 = vector.shape_cast %broadcast_in_dim3A_604 : vector<16x1xi32> to vector<16xi32>
        %gather3A_606 = tpu.dynamic_gather %select_n3A_481[%gather3A_605] in [0] : vector<16xf32>, vector<16xi32> -> vector<16xf32>
        %add3A_607 = arith.addf %select_n3A_481, %gather3A_606 : vector<16xf32>
        %lt3A_608 = arith.constant 0 : i32
        %lt3A_609 = vector.broadcast %lt3A_608 : i32 to vector<16xi32>
        %lt3A_610 = arith.cmpi slt, %xor3A_7, %lt3A_609 : vector<16xi32>
        %add3A_611 = arith.constant 16 : i32
        %add3A_612 = vector.broadcast %add3A_611 : i32 to vector<16xi32>
        %add3A_613 = arith.addi %xor3A_7, %add3A_612 : vector<16xi32>
        %select_n3A_614 = arith.select %lt3A_610, %add3A_613, %xor3A_7 : vector<16xi1>, vector<16xi32>
        %broadcast_in_dim3A_615 = vector.shape_cast %select_n3A_614 : vector<16xi32> to vector<16x1xi32>
        %gather3A_616 = vector.shape_cast %broadcast_in_dim3A_615 : vector<16x1xi32> to vector<16xi32>
        %gather3A_617 = tpu.dynamic_gather %select_n3A_504[%gather3A_616] in [0] : vector<16xf32>, vector<16xi32> -> vector<16xf32>
        %add3A_618 = arith.addf %select_n3A_504, %gather3A_617 : vector<16xf32>
        %select_n3A_619 = arith.select %ne3A_23, %add3A_618, %add3A_607 : vector<16xi1>, vector<16xf32>
        %lt3A_620 = arith.constant 0 : i32
        %lt3A_621 = vector.broadcast %lt3A_620 : i32 to vector<16xi32>
        %lt3A_622 = arith.cmpi slt, %xor3A_7, %lt3A_621 : vector<16xi32>
        %add3A_623 = arith.constant 16 : i32
        %add3A_624 = vector.broadcast %add3A_623 : i32 to vector<16xi32>
        %add3A_625 = arith.addi %xor3A_7, %add3A_624 : vector<16xi32>
        %select_n3A_626 = arith.select %lt3A_622, %add3A_625, %xor3A_7 : vector<16xi1>, vector<16xi32>
        %broadcast_in_dim3A_627 = vector.shape_cast %select_n3A_626 : vector<16xi32> to vector<16x1xi32>
        %gather3A_628 = vector.shape_cast %broadcast_in_dim3A_627 : vector<16x1xi32> to vector<16xi32>
        %gather3A_629 = tpu.dynamic_gather %select_n3A_527[%gather3A_628] in [0] : vector<16xf32>, vector<16xi32> -> vector<16xf32>
        %add3A_630 = arith.addf %select_n3A_527, %gather3A_629 : vector<16xf32>
        %lt3A_631 = arith.constant 0 : i32
        %lt3A_632 = vector.broadcast %lt3A_631 : i32 to vector<16xi32>
        %lt3A_633 = arith.cmpi slt, %xor3A_7, %lt3A_632 : vector<16xi32>
        %add3A_634 = arith.constant 16 : i32
        %add3A_635 = vector.broadcast %add3A_634 : i32 to vector<16xi32>
        %add3A_636 = arith.addi %xor3A_7, %add3A_635 : vector<16xi32>
        %select_n3A_637 = arith.select %lt3A_633, %add3A_636, %xor3A_7 : vector<16xi1>, vector<16xi32>
        %broadcast_in_dim3A_638 = vector.shape_cast %select_n3A_637 : vector<16xi32> to vector<16x1xi32>
        %gather3A_639 = vector.shape_cast %broadcast_in_dim3A_638 : vector<16x1xi32> to vector<16xi32>
        %gather3A_640 = tpu.dynamic_gather %select_n3A_550[%gather3A_639] in [0] : vector<16xf32>, vector<16xi32> -> vector<16xf32>
        %add3A_641 = arith.addf %select_n3A_550, %gather3A_640 : vector<16xf32>
        %select_n3A_642 = arith.select %ne3A_23, %add3A_641, %add3A_630 : vector<16xi1>, vector<16xf32>
        %lt3A_643 = arith.constant 0 : i32
        %lt3A_644 = vector.broadcast %lt3A_643 : i32 to vector<16xi32>
        %lt3A_645 = arith.cmpi slt, %xor3A_10, %lt3A_644 : vector<16xi32>
        %add3A_646 = arith.constant 16 : i32
        %add3A_647 = vector.broadcast %add3A_646 : i32 to vector<16xi32>
        %add3A_648 = arith.addi %xor3A_10, %add3A_647 : vector<16xi32>
        %select_n3A_649 = arith.select %lt3A_645, %add3A_648, %xor3A_10 : vector<16xi1>, vector<16xi32>
        %broadcast_in_dim3A_650 = vector.shape_cast %select_n3A_649 : vector<16xi32> to vector<16x1xi32>
        %gather3A_651 = vector.shape_cast %broadcast_in_dim3A_650 : vector<16x1xi32> to vector<16xi32>
        %gather3A_652 = tpu.dynamic_gather %select_n3A_573[%gather3A_651] in [0] : vector<16xf32>, vector<16xi32> -> vector<16xf32>
        %add3A_653 = arith.addf %select_n3A_573, %gather3A_652 : vector<16xf32>
        %lt3A_654 = arith.constant 0 : i32
        %lt3A_655 = vector.broadcast %lt3A_654 : i32 to vector<16xi32>
        %lt3A_656 = arith.cmpi slt, %xor3A_10, %lt3A_655 : vector<16xi32>
        %add3A_657 = arith.constant 16 : i32
        %add3A_658 = vector.broadcast %add3A_657 : i32 to vector<16xi32>
        %add3A_659 = arith.addi %xor3A_10, %add3A_658 : vector<16xi32>
        %select_n3A_660 = arith.select %lt3A_656, %add3A_659, %xor3A_10 : vector<16xi1>, vector<16xi32>
        %broadcast_in_dim3A_661 = vector.shape_cast %select_n3A_660 : vector<16xi32> to vector<16x1xi32>
        %gather3A_662 = vector.shape_cast %broadcast_in_dim3A_661 : vector<16x1xi32> to vector<16xi32>
        %gather3A_663 = tpu.dynamic_gather %select_n3A_596[%gather3A_662] in [0] : vector<16xf32>, vector<16xi32> -> vector<16xf32>
        %add3A_664 = arith.addf %select_n3A_596, %gather3A_663 : vector<16xf32>
        %select_n3A_665 = arith.select %ne3A_29, %add3A_664, %add3A_653 : vector<16xi1>, vector<16xf32>
        %lt3A_666 = arith.constant 0 : i32
        %lt3A_667 = vector.broadcast %lt3A_666 : i32 to vector<16xi32>
        %lt3A_668 = arith.cmpi slt, %xor3A_10, %lt3A_667 : vector<16xi32>
        %add3A_669 = arith.constant 16 : i32
        %add3A_670 = vector.broadcast %add3A_669 : i32 to vector<16xi32>
        %add3A_671 = arith.addi %xor3A_10, %add3A_670 : vector<16xi32>
        %select_n3A_672 = arith.select %lt3A_668, %add3A_671, %xor3A_10 : vector<16xi1>, vector<16xi32>
        %broadcast_in_dim3A_673 = vector.shape_cast %select_n3A_672 : vector<16xi32> to vector<16x1xi32>
        %gather3A_674 = vector.shape_cast %broadcast_in_dim3A_673 : vector<16x1xi32> to vector<16xi32>
        %gather3A_675 = tpu.dynamic_gather %select_n3A_619[%gather3A_674] in [0] : vector<16xf32>, vector<16xi32> -> vector<16xf32>
        %add3A_676 = arith.addf %select_n3A_619, %gather3A_675 : vector<16xf32>
        %lt3A_677 = arith.constant 0 : i32
        %lt3A_678 = vector.broadcast %lt3A_677 : i32 to vector<16xi32>
        %lt3A_679 = arith.cmpi slt, %xor3A_10, %lt3A_678 : vector<16xi32>
        %add3A_680 = arith.constant 16 : i32
        %add3A_681 = vector.broadcast %add3A_680 : i32 to vector<16xi32>
        %add3A_682 = arith.addi %xor3A_10, %add3A_681 : vector<16xi32>
        %select_n3A_683 = arith.select %lt3A_679, %add3A_682, %xor3A_10 : vector<16xi1>, vector<16xi32>
        %broadcast_in_dim3A_684 = vector.shape_cast %select_n3A_683 : vector<16xi32> to vector<16x1xi32>
        %gather3A_685 = vector.shape_cast %broadcast_in_dim3A_684 : vector<16x1xi32> to vector<16xi32>
        %gather3A_686 = tpu.dynamic_gather %select_n3A_642[%gather3A_685] in [0] : vector<16xf32>, vector<16xi32> -> vector<16xf32>
        %add3A_687 = arith.addf %select_n3A_642, %gather3A_686 : vector<16xf32>
        %select_n3A_688 = arith.select %ne3A_29, %add3A_687, %add3A_676 : vector<16xi1>, vector<16xf32>
        %lt3A_689 = arith.constant 0 : i32
        %lt3A_690 = vector.broadcast %lt3A_689 : i32 to vector<16xi32>
        %lt3A_691 = arith.cmpi slt, %xor3A_13, %lt3A_690 : vector<16xi32>
        %add3A_692 = arith.constant 16 : i32
        %add3A_693 = vector.broadcast %add3A_692 : i32 to vector<16xi32>
        %add3A_694 = arith.addi %xor3A_13, %add3A_693 : vector<16xi32>
        %select_n3A_695 = arith.select %lt3A_691, %add3A_694, %xor3A_13 : vector<16xi1>, vector<16xi32>
        %broadcast_in_dim3A_696 = vector.shape_cast %select_n3A_695 : vector<16xi32> to vector<16x1xi32>
        %gather3A_697 = vector.shape_cast %broadcast_in_dim3A_696 : vector<16x1xi32> to vector<16xi32>
        %gather3A_698 = tpu.dynamic_gather %select_n3A_665[%gather3A_697] in [0] : vector<16xf32>, vector<16xi32> -> vector<16xf32>
        %add3A_699 = arith.addf %select_n3A_665, %gather3A_698 : vector<16xf32>
        %lt3A_700 = arith.constant 0 : i32
        %lt3A_701 = vector.broadcast %lt3A_700 : i32 to vector<16xi32>
        %lt3A_702 = arith.cmpi slt, %xor3A_13, %lt3A_701 : vector<16xi32>
        %add3A_703 = arith.constant 16 : i32
        %add3A_704 = vector.broadcast %add3A_703 : i32 to vector<16xi32>
        %add3A_705 = arith.addi %xor3A_13, %add3A_704 : vector<16xi32>
        %select_n3A_706 = arith.select %lt3A_702, %add3A_705, %xor3A_13 : vector<16xi1>, vector<16xi32>
        %broadcast_in_dim3A_707 = vector.shape_cast %select_n3A_706 : vector<16xi32> to vector<16x1xi32>
        %gather3A_708 = vector.shape_cast %broadcast_in_dim3A_707 : vector<16x1xi32> to vector<16xi32>
        %gather3A_709 = tpu.dynamic_gather %select_n3A_688[%gather3A_708] in [0] : vector<16xf32>, vector<16xi32> -> vector<16xf32>
        %add3A_710 = arith.addf %select_n3A_688, %gather3A_709 : vector<16xf32>
        %select_n3A_711 = arith.select %ne3A_35, %add3A_710, %add3A_699 : vector<16xi1>, vector<16xf32>
        %mul3A_712 = arith.constant 16 : i32
        %mul3A_713 = arith.muli %scan3A_67, %mul3A_712 : i32
        %add3A_714 = arith.addi %mul3A_43, %mul3A_713 : i32
        %swap3A = arith.index_cast %add3A_714 : i32 to index
        %swap3A_715 = tpu.vector_load %arg11[%swap3A] {strides = array<i32>} : memref<512xf32, #tpu.memory_space<vmem>>, vector<16xf32>,
        tpu.vector_store %arg11[%swap3A], %select_n3A_711 {strides = array<i32>} : memref<512xf32, #tpu.memory_space<vmem>>, vector<16xf32>,
      }
      %scan3A_66 = arith.constant 16 : i32
    }
    %scan3A_40 = arith.constant 2 : i32
    "tpu.region"() ({
      %run_scoped3A = tpu.sem_alloc : memref<!tpu.dma_semaphore, #tpu.memory_space<semaphore_mem>>
      %dma_start3A = tpu.memref_slice %arg6[%mul3A_2] : memref<16384xf32, #tpu.memory_space<hbm>> -> memref<512xf32, #tpu.memory_space<hbm>>
      %dma_start3A_41 = tpu.memref_slice %arg6[%mul3A_2] : memref<16384xf32, #tpu.memory_space<hbm>> -> memref<512xf32, #tpu.memory_space<hbm>>
      tpu.enqueue_dma source(%arg11 : memref<512xf32, #tpu.memory_space<vmem>>) target(%dma_start3A_41 : memref<512xf32, #tpu.memory_space<hbm>>) target_semaphore(%run_scoped3A : memref<!tpu.dma_semaphore, #tpu.memory_space<semaphore_mem>>)
      %dma_wait3A = tpu.memref_slice %arg6[%mul3A_2] : memref<16384xf32, #tpu.memory_space<hbm>> -> memref<512xf32, #tpu.memory_space<hbm>>
      %dma_wait3A_42 = tpu.memref_slice %arg6[%mul3A_2] : memref<16384xf32, #tpu.memory_space<hbm>> -> memref<512xf32, #tpu.memory_space<hbm>>
      tpu.wait_dma2 semaphore(%run_scoped3A : memref<!tpu.dma_semaphore, #tpu.memory_space<semaphore_mem>>) src(%arg11 : memref<512xf32, #tpu.memory_space<vmem>>) dst(%dma_wait3A_42 : memref<512xf32, #tpu.memory_space<hbm>>)
      tpu.yield
    }) : () -> ()
    return
  }
}

</mosaic_0001>

<sc_bundles>
// kernel: _run.3.cloned.1.call-start
scs
__scs_entry_jumppad:
0x0: {  	(pc) =	sbr.rel $0x88, $3  }
0x1: {  	(tag) =	ssettag $0x0;
	lr =	simm.s32 $0x1  }
0x2: {  	[smem:$0x3F9D] =	sst lr;
	_ =	strace $0xD0000000  }
0x3: {  	_ = 	snop  }
0x4: {  	_ = 	snop  }
0x5: {  	_ = 	snop  }
0x6: {  	_ = 	snop  }
0x7: {  	_ = 	snop  }
__scs_overlays_trampoline_lowered:
0x8: {  	[smem:$0x3FAC] =	sst s0  }
0x9: {  	[smem:$0x3FAD] =	sst s1  }
0xa: {  	[smem:$0x3FAE] =	sst s2  }
0xb: {  	[smem:$0x3FAF] =	sst s3  }
0xc: {  	[smem:$0x3FB0] =	sst s4  }
0xd: {  	[smem:$0x3FB1] =	sst s5  }
0xe: {  	[smem:$0x3FB2] =	sst s6  }
0xf: {  	[smem:$0x3FB3] =	sst s7  }
0x10: {  	[smem:$0x3FB4] =	sst s8  }
0x11: {  	[smem:$0x3FB5] =	sst s9;
	s0 =	simm.s32 @!p0 $0x0  }
0x12: {  	s1 =	sld [smem:$0x3F9B];
	s0 =	simm.s32 @p0 $0x1  }
0x13: {  	[smem:$0x3FB6] =	sst s0;
	s0 =	simm.s32 @!p1 $0x0  }
0x14: {  	s2 =	sld [smem:$0x3F9A];
	s0 =	simm.s32 @p1 $0x1  }
0x15: {  	[smem:$0x3FB7] =	sst s0;
	s0 =	simm.s32 @!p2 $0x0  }
0x16: {  	s3 =	sld [smem:$0x3FDB];
	s0 =	simm.s32 @p2 $0x1  }
0x17: {  	s4 =	simm.s32 $0x1BF5;
	[smem:$0x3FB9] =	sst s0  }
0x18: {  	s0 =	sld [smem:$0x3F9C];
	_ =	swait.ge [sflag:s4], $0x0  }
0x19: {  	s7 =	sld [smem:$0x3F9D]  }
0x1a: {  	s8 =	sadd.s32 $0xFFFFE003, lr  }
0x1b: {  	s9 =	sadd.s32 $0xFFFFFEF7, lr;
	s5 =	simm.s32 $0xFFFFFFFF;
	p2 =	slt.u32 s8, $0xFFFFF086  }
0x1c: {  	p1 =	slt.u32 s9, $0xF7A;
	s5 =	simm.s32 @!p2 $0x0  }
0x1d: {  	s5 =	simm.s32 @p1 $0x1;
	p0 =	seq.s32 s7, s2  }
0x1e: {  	s7 =	smul.u32 @!p0 $0xF7A, s2;
	p2 =	seq.s32 @!p0 s5, $0x0  }
0x1f: {  	s9 =	smul.u32 $0xF7A, s1;
	s8 =	simm.s32 @!p0 $0x1BF5;
	p2 =	por !p2, p0  }
0x20: {  	[sflag:s8] =	ssyncset.s32 @!p0 $0xFFFFF086;
	s6 =	sadd.s32 @!p0 s3, s7;
	s7 =	simm.s32 @!p0 $0x108  }
0x21: {  	s3 =	sadd.s32 s3, s9;
	s6 =	sadd.s32 @!p0 $0x88, s6;
	s7 =	simm.s32 @p2 $0x1082  }
0x22: {  	[simem:s7], [sflag:s8] =	dma.local @!p0 [hbm:s6], $0xF7A  }
0x23: {  	s9 =	sor.u32 $0xD0000000, s2;
	s6 =	simm.s32 $0x108;
	_ =	swait.ge @!p0 [sflag:s8], $0x0  }
0x24: {  	s3 =	sadd.s32 $0x88, s3;
	s6 =	simm.s32 @!p1 $0x1082;
	[sflag:s4] =	ssyncset.s32 $0xFFFFF086  }
0x25: {  	[simem:s6], [sflag:s4] =	dma.local [hbm:s3], $0xF7A  }
0x26: {  	[smem:$0x3F9D] =	sst s1;
	(tag) =	ssettag s2;
	_ =	strace s9  }
0x27: {  	s1 =	sld [smem:$0x3FAD]  }
0x28: {  	s2 =	sld [smem:$0x3FAE]  }
0x29: {  	s4 =	sld [smem:$0x3FB0]  }
0x2a: {  	p0 =	seq.s32 s5, $0x0;
	s5 =	sld [smem:$0x3FB1]  }
0x2b: {  	s6 =	sld [smem:$0x3FB2]  }
0x2c: {  	s7 =	sld [smem:$0x3FB3]  }
0x2d: {  	s3 =	simm.s32 $0x108;
	s8 =	sld [smem:$0x3FB4]  }
0x2e: {  	s3 =	simm.s32 @!p0 $0x1082;
	s9 =	sld [smem:$0x3FB5]  }
0x2f: {  	lr =	sadd.s32 s0, s3;
	s0 =	sld [smem:$0x3FAC]  }
0x30: {  	s3 =	sld [smem:$0x3FAF]  }
0x31: {  	[smem:$0x3FB8] =	sst s10  }
0x32: {  	s10 =	sld [smem:$0x3FB6];
	_ =	sdelay $0x3  }
0x33: {  	p0 =	seq.s32 s10, $0x1;
	s10 =	sld [smem:$0x3FB8];
	_ =	sdelay $0x3  }
0x34: {  	[smem:$0x3FB8] =	sst s10  }
0x35: {  	s10 =	sld [smem:$0x3FB7];
	_ =	sdelay $0x3  }
0x36: {  	p1 =	seq.s32 s10, $0x1;
	s10 =	sld [smem:$0x3FB8];
	_ =	sdelay $0x3  }
0x37: {  	[smem:$0x3FB8] =	sst s10  }
0x38: {  	s10 =	sld [smem:$0x3FB9]  }
0x39: {  	_ = 	snop;
	(pc) =	sbr.ind lr, $3  }
0x3a: {  	_ = 	snop  }
0x3b: {  	_ = 	snop  }
0x3c: {  	p2 =	seq.s32 s10, $0x1;
	s10 =	sld [smem:$0x3FB8]  }
0x3d: {  	_ =	shalt  }
0x3e: {  	_ =	shalt  }
0x3f: {  	_ =	shalt  }
0x40: {  	_ =	shalt  }
0x41: {  	_ =	shalt  }
0x42: {  	_ =	shalt  }
0x43: {  	_ =	shalt  }
0x44: {  	_ =	shalt  }
0x45: {  	_ =	shalt  }
0x46: {  	_ =	shalt  }
0x47: {  	_ =	shalt  }
0x48: {  	_ =	shalt  }
0x49: {  	_ =	shalt  }
0x4a: {  	_ =	shalt  }
0x4b: {  	_ =	shalt  }
0x4c: {  	_ =	shalt  }
0x4d: {  	_ =	shalt  }
0x4e: {  	_ =	shalt  }
0x4f: {  	_ =	shalt  }
0x50: {  	_ =	shalt  }
0x51: {  	_ =	shalt  }
0x52: {  	_ =	shalt  }
0x53: {  	_ =	shalt  }
0x54: {  	_ =	shalt  }
0x55: {  	_ =	shalt  }
0x56: {  	_ =	shalt  }
0x57: {  	_ =	shalt  }
0x58: {  	_ =	shalt  }
0x59: {  	_ =	shalt  }
0x5a: {  	_ =	shalt  }
0x5b: {  	_ =	shalt  }
0x5c: {  	_ =	shalt  }
0x5d: {  	_ =	shalt  }
0x5e: {  	_ =	shalt  }
0x5f: {  	_ =	shalt  }
0x60: {  	_ =	shalt  }
0x61: {  	_ =	shalt  }
0x62: {  	_ =	shalt  }
0x63: {  	_ =	shalt  }
0x64: {  	_ =	shalt  }
0x65: {  	_ =	shalt  }
0x66: {  	_ =	shalt  }
0x67: {  	_ =	shalt  }
0x68: {  	_ =	shalt  }
0x69: {  	_ =	shalt  }
0x6a: {  	_ =	shalt  }
0x6b: {  	_ =	shalt  }
0x6c: {  	_ =	shalt  }
0x6d: {  	_ =	shalt  }
0x6e: {  	_ =	shalt  }
0x6f: {  	_ =	shalt  }
0x70: {  	_ =	shalt  }
0x71: {  	_ =	shalt  }
0x72: {  	_ =	shalt  }
0x73: {  	_ =	shalt  }
0x74: {  	_ =	shalt  }
0x75: {  	_ =	shalt  }
0x76: {  	_ =	shalt  }
0x77: {  	_ =	shalt  }
0x78: {  	_ =	shalt  }
0x79: {  	_ =	shalt  }
0x7a: {  	_ =	shalt  }
0x7b: {  	_ =	shalt  }
0x7c: {  	_ =	shalt  }
0x7d: {  	_ =	shalt  }
0x7e: {  	_ =	shalt  }
0x7f: {  	_ =	shalt  }
0x80: {  	_ =	shalt  }
0x81: {  	_ =	shalt  }
0x82: {  	_ =	shalt  }
0x83: {  	_ =	shalt  }
0x84: {  	_ =	shalt  }
0x85: {  	_ =	shalt  }
0x86: {  	_ =	shalt  }
0x87: {  	_ =	shalt  }
.Lfunc_end0:
.L_simem_size_0:
called_computation_lowered:
.L_overlay_start_0:
0x88: {  	s2 =	sld [smem:$0x3FD9]  }
0x89: {  	s3 =	sld [smem:$0x3FFE];
	_ =	sdelay $0x1  }
0x8a: {  	s1 =	srdreg.scid  }
0x8b: {  	s0 =	sand.u32 $0x1, s1  }
0x8c: {  	s17 =	sshll.u32 s0, $0xA;
	s2 =	sadd.s32 s3, s2  }
0x8d: {  	s2 =	sadd.s32 s2, s17  }
0x8e: {  	[smem:$0x3FC4] =	sst s2  }
0x8f: {  	_ = 	snop  }
0x90: {  	s2 =	sld [smem:$0x3FC9]  }
0x91: {  	s18 =	sld [smem:$0x3FC8]  }
0x92: {  	s4 =	sld [smem:$0x3FD0];
	(tm) =	ssettm $0x1  }
0x93: {  	s5 =	sld [smem:$0x3FFB];
	_ =	sdelay $0x3  }
0x94: {  	_ =	strace s5  }
0x95: {  	s5 =	sld [smem:$0x3FFC];
	_ =	sdelay $0x3  }
0x96: {  	_ =	strace s5  }
0x97: {  	s5 =	sld [smem:$0x3FFD];
	_ =	sdelay $0x3  }
0x98: {  	_ =	strace s5  }
0x99: {  	_ =	strace $0x8FFFFFFF  }
0x9a: {  	s19 =	sld [smem:$0x3FDB];
	_ =	sdelay $0x1  }
0x9b: {  	s6 =	simm.s32 $_scs_section_size  }
0x9c: {  	s7 =	simm.s32 $_size__tile_overlayer_lowered;
	s8 =	simm.s32 $_tile_overlayer_lowered  }
0x9d: {  	s22 =	simm.s32 $0x1BFF;
	s21 =	sshll.u32 s8, $0x1;
	s5 =	sadd.s32 s6, s19  }
0x9e: {  	s9 =	simm.s32 $0x0;
	s20 =	sshll.u32 s7, $0x1;
	s7 =	sadd.s32 s21, s5  }
0x9f: {  	[timem:s9], [sflag:s22] =	dma.local [hbm:s7], s20  }
0xa0: {  	_ =	swait.ge [sflag:s22], s20  }
0xa1: {  	s6 =	ssub.s32 $0x0, s20;
	[sflag:s22] =	ssyncset.done $0x0  }
0xa2: {  	[sflag:s22] =	ssyncadd.s32 s6;
	_ =	sdelay $0x1  }
0xa3: {  	s23 =	simm.s32 $0x1B8B  }
0xa4: {  	_ =	swait.ge [sflag:s23], $0x1  }
0xa5: {  	[sflag:s23] =	ssyncset.done $0x0  }
0xa6: {  	s25 =	simm.s32 $0x1B8E;
	s24 =	sld [smem:$0x3FFE];
	[sflag:s23] =	ssyncadd.s32 $0xFFFFFFFF  }
0xa7: {  	s26 =	simm.s32 $execute0_lowered;
	[smem:$0x3FD2] =	sst s25  }
0xa8: {  	s7 =	sshll.u32 s26, $0x1;
	_ =	strace $0x80000046;
	[dreg:$0x1] =	wrdreg $0xFFFFFFFF  }
0xa9: {  	s28 =	simm.s32 $_size_execute0_lowered;
	s5 =	sadd.s32 s5, s7;
	[dreg:$0x0] =	wrdreg $0x0  }
0xaa: {  	s7 =	sshll.u32 s28, $0x1;
	[dreg:$0x2] =	wrdreg s5  }
0xab: {  	[dreg:$0x3] =	wrdreg s7  }
0xac: {  	[dreg:$0x4] =	wrdreg $0xC0  }
0xad: {  	_ =	task [dreg:s9], $0x5FFFF  }
0xae: {  	[dreg:$0x1] =	wrdreg $0xFFFFFFFF  }
0xaf: {  	[dreg:$0x0] =	wrdreg $0x60  }
0xb0: {  	[dreg:$0x2] =	wrdreg s2  }
0xb1: {  	[dreg:$0x3] =	wrdreg s18  }
0xb2: {  	[dreg:$0x4] =	wrdreg s24  }
0xb3: {  	[dreg:$0x5] =	wrdreg s4  }
0xb4: {  	[dreg:$0x6] =	wrdreg $0x9  }
0xb5: {  	_ =	task.clear_ibuf [dreg:s9], $0x7FFFF;
	_ =	strace $0x90000046  }
0xb6: {  	s29 =	simm.s32 $0x9;
	_ =	strace $0x80000048  }
0xb7: {  	_ =	swait.ge [sflag:s29], $0x1  }
0xb8: {  	[sflag:s29] =	ssyncadd.s32 $0xFFFFFFFF  }
0xb9: {  	_ =	strace $0x90000048  }
0xba: {  	_ =	sfence  }
0xbb: {  	s30 =	sld [smem:$0x0];
	_ =	sdelay $0x2  }
0xbc: {  	s31 =	sshll.u32 s1, $0xD;
	s1 =	sshrl.u32 s1, $0x2  }
0xbd: {  	s3 =	sand.u32 $0x4000, s31;
	s1 =	sadd.s32 s1, s30  }
0xbe: {  	s0 =	sor.u32 s3, s0;
	s1 =	sshll.u32 s1, $0x11  }
0xbf: {  	s0 =	sor.u32 s1, s0  }
0xc0: {  	s0 =	sadd.s32 $0x8F2B, s0  }
0xc1: {  	[sflag:s0] =	ssyncadd.remote.s32 $0x1  }
0xc2: {  	_ =	sfence.sel $0xFFFF  }
0xc3: {  	[dreg:$0x0] =	wrdreg $0xFFFFFFFF;
	(pc) =	sbr.abs _section_cstart, $3  }
0xc4: {  	[dreg:$0x1] =	wrdreg $0xFFFFFFFF  }
0xc5: {  	_ =	task.clear_ibuf [dreg:s9], $0x2FFFF;
	_ =	strace $0x9FFFFFFF  }
0xc6: {  	(tm) =	ssettm $0x7FFFFFFF  }
0xc7: {  	_ =	shalt  }
tec
execute0_lowered:
.L_overlay_start_1:
0x0: {  	(tag) =	ssettag $0x1  }
0x1: {  	v0 =	vimm.s32 $0xEFCDAB89  }
0x2: {  	vm0 =	vcmask $0xB08;
	vm1 =	vcmask $0x300;
	v1 =	vimm.s32 $0x67452301  }
0x3: {  	v2 =	vimm.s32 $0xDCFE98BA;
	v3 =	vimm.s32 $0x54761032;
	vm2 =	vcmask $0x700  }
0x4: {  	vm3 =	vcmask $0x3B38;
	v4 =	vimm.s32 $0xFEDCBA98;
	v5 =	vimm.s32 $0x76543210  }
0x5: {  	v0 =	vunpack.c.l.s4.s8 v0;
	vm0 =	vmor vm1, vm0;
	vm1 =	vcmask $0x1310  }
0x6: {  	v1 =	vunpack.c.l.s4.s8 v1;
	v2 =	vunpack.c.l.s4.s8 v2;
	v3 =	vunpack.c.l.s4.s8 v3  }
0x7: {  	v4 =	vunpack.c.l.s4.s8 v4;
	vm0 =	vmor vm0, vm1;
	vm1 =	vcmask $0x1B18  }
0x8: {  	v0 =	vunpack.c.0.s8.s32 v0;
	vm0 =	vmor vm0, vm1;
	vm1 =	vcmask $0x2320  }
0x9: {  	v1 =	vunpack.c.0.s8.s32 v1;
	vm0 =	vmor vm0, vm1;
	vm1 =	vcmask $0x2B28  }
0xa: {  	s0 =	rddreg [dreg:$0x0];
	v4 =	vunpack.c.0.s8.s32 v4;
	vm0 =	vmor vm0, vm1;
	vm1 =	vcmask $0x3330  }
0xb: {  	s2 =	rddreg [dreg:$0x1];
	v0 =	vcombine.low v1, v0;
	v1 =	vunpack.c.0.s8.s32 v2;
	v2 =	vunpack.c.0.s8.s32 v3  }
0xc: {  	s4 =	rddreg [dreg:$0x2];
	s3 =	srdreg.scid;
	v3 =	vimm.s32 $0x32107654;
	vm0 =	vmor vm0, vm1;
	vm1 =	vcmask $0x1710  }
0xd: {  	s1 =	simm.s32 $0x0;
	s7 =	stileid.u32;
	s3 =	sand.u32 $0x1, s3;
	v3 =	vunpack.c.l.s4.s8 v3;
	v1 =	vcombine.low v2, v1;
	v2 =	vimm.s32 $0xBA98FEDC  }
0xe: {  	[smem:$0x7FF] =	sst s1;
	s7 =	sshll.u32 s7, $0x7;
	s8 =	sshll.u32 s3, $0x6;
	vm1 =	vmor vm2, vm1;
	vm2 =	vcmask $0x2720;
	v2 =	vunpack.c.l.s4.s8 v2  }
0xf: {  	s5 =	rddreg [dreg:$0x3];
	v5 =	vunpack.c.l.s4.s8 v5;
	_ =	strace $0x80000047;
	s7 =	sor.u32 s8, s7;
	v4 =	vand.u32 $0xF, v4;
	vm1 =	vmor vm1, vm2  }
0x10: {  	s6 =	ssub.s32 $0x2, s3;
	s3 =	sadd.s32 $0x400, s4;
	s0 =	sadd.s32 s0, s7;
	vm2 =	vcmask $0x3730;
	v3 =	vunpack.c.0.s8.s32 v3;
	v2 =	vunpack.c.0.s8.s32 v2  }
0x11: {  	s9 =	sshrl.u32 s6, $0x1;
	s29 =	sadd.s32 s2, s7;
	[dreg:$0xe] =	wrdreg s0;
	vm0 =	vmor vm0, vm3;
	vm3 =	vcmask $0xF00;
	vm1 =	vmor vm1, vm2  }
0x12: {  	s6 =	ssub.s32 s6, s9;
	s30 =	sadd.s32 s5, s7;
	[dreg:$0xf] =	wrdreg s29;
	vm2 =	vcmask $0x2F20;
	v2 =	vcombine.low v3, v2;
	v3 =	vunpack.c.0.s8.s32 v5  }
0x13: {  	s4 =	sadd.s32 $0xF42800, s4;
	[dreg:$0x10] =	wrdreg s30;
	s31 =	smax.u32 s6, $0x1;
	v0 =	vand.u32 $0xF, v0;
	v1 =	vand.u32 $0xF, v1;
	vm2 =	vmor vm3, vm2  }
0x14: {  	s2 =	simm.s32 $0x3;
	s5 =	simm.s32 $0x0;
	[dreg:$0x11] =	wrdreg s31;
	vm3 =	vmmov $0xff;
	v2 =	vand.u32 $0xF, v2;
	v3 =	vcombine.low v4, v3  }
.LBB2_1:
0x15: {  	[dreg:$0x12] =	wrdreg s5  }
0x16: {  	s0 =	rddreg [dreg:$0xe]  }
0x17: {  	[tilespmem:s1], [sflag:$0x3] =	stream.linear.gather [hbm4b:s0+s1], $0x200, $0x38;
	[tilespmem:$0x10600] =	vst v63  }
0x18: {  	_ =	swait.ge [sflag:s2], $0x200  }
0x19: {  	[sflag:s2] =	ssyncset.done $0x0  }
0x1a: {  	s31 =	simm.s32 $0x200;
	s30 =	rddreg [dreg:$0xf];
	[sflag:s2] =	ssyncadd.s32 $0xFFFFFE00  }
0x1b: {  	[tilespmem:s31], [sflag:$0x3] =	stream.linear.gather [hbm4b:s30+s1], $0x200, $0x38;
	[tilespmem:$0x10600] =	vst v63  }
0x1c: {  	_ =	swait.ge [sflag:s2], $0x200  }
0x1d: {  	[sflag:s2] =	ssyncset.done $0x0  }
0x1e: {  	p1 =	por $0x1, $0x1;
	s0 =	simm.s32 $0x0;
	[sflag:s2] =	ssyncadd.s32 $0xFFFFFE00  }
.LBB2_2:
0x1f: {  	s19 =	sshll.u32 s0, $0x2  }
0x20: {  	[dreg:$0x13] =	wrdreg s0;
	s0 =	sshra.s32 s19, $0x2  }
0x21: {  	s21 =	sadd.s32 $0x200, s0;
	v4 =	vld [tilespmem:s0+$0x0]  }
0x22: {  	v6 =	vld [tilespmem:s21+$0x0];
	_ =	sdelay $0x3  }
0x23: {  	v5 =	vshll.u32 v4, $0x4  }
0x24: {  	v4 =	vshll.u32 v6, $0x4;
	(v2sf) =	vpush v5, $0x0  }
0x25: {  	(v2sf) =	vpush v4, $0x0  }
0x26: {  	(v2sf) =	vpush v5, $0x1;
	_ =	sdelay $0x2  }
0x27: {  	(v2sf) =	vpush v4, $0x1;
	_ =	sdelay $0x1  }
0x28: {  	(v2sf) =	vpush v5, $0x2;
	_ =	sdelay $0x1  }
0x29: {  	(v2sf) =	vpush v4, $0x2;
	_ =	sdelay $0x1  }
0x2a: {  	s17 =	simm.s32 $0x2000;
	s16 =	simm.s32 $0x0;
	(v2sf) =	vpush v5, $0x3  }
0x2b: {  	s7 =	simm.s32 $0x8400;
	s6 =	simm.s32 $0x680;
	s5 =	simm.s32 $0x880  }
0x2c: {  	s2 =	simm.s32 $0x400;
	s9 =	simm.s32 $0x600;
	s23 =	simm.s32 $0x480;
	(v2sf) =	vpush v4, $0x3  }
0x2d: {  	s25 =	simm.s32 $0x8480;
	s29 =	simm.s32 $0x500;
	s13 =	simm.s32 $0x580  }
0x2e: {  	s18 =	simm.s32 $0x8580;
	p0 =	por p1, p1;
	s8 =	spop (v2sf)  }
0x2f: {  	s21 =	sadd.s32 $0x10, s21;
	s8 =	sand.u32 $0x1FFFFFF0, s8;
	s10 =	spop (v2sf)  }
0x30: {  	(v2sf) =	vpush v5, $0x4;
	s8 =	sadd.s32 s3, s8;
	s10 =	sand.u32 $0x1FFFFFF0, s10;
	s11 =	spop (v2sf)  }
0x31: {  	[tilespmem:s2], [sflag:$0x1] =	stream.linear.gather [hbm4b:s8+s1], $0x80, $0x38;
	[tilespmem:$0x10600] =	vst v63  }
0x32: {  	(v2sf) =	vpush v4, $0x4;
	s2 =	simm.s32 $0x8900;
	s20 =	sadd.s32 s4, s10;
	s22 =	sand.u32 $0x1FFFFFF0, s11  }
0x33: {  	s24 =	spop (v2sf);
	(v2sf) =	vpush v5, $0x5;
	s11 =	simm.s32 $0x8500;
	s10 =	sadd.s32 s3, s22  }
0x34: {  	[tilespmem:s7], [sflag:$0x2] =	stream.linear.gather [hbm4b:s20+s1], $0x80, $0x38;
	[tilespmem:$0x10600] =	vst v63  }
0x35: {  	s8 =	sand.u32 $0x1FFFFFF0, s24;
	s26 =	spop (v2sf);
	s24 =	simm.s32 $0x8600  }
0x36: {  	(v2sf) =	vpush v4, $0x5;
	[tilespmem:s23], [sflag:$0x1] =	stream.linear.gather [hbm4b:s10+s1], $0x80, $0x38;
	[tilespmem:$0x10600] =	vst v63  }
0x37: {  	s8 =	sadd.s32 s4, s8;
	s28 =	spop (v2sf);
	s10 =	sand.u32 $0x1FFFFFF0, s26  }
0x38: {  	(v2sf) =	vpush v5, $0x6;
	[tilespmem:s25], [sflag:$0x2] =	stream.linear.gather [hbm4b:s8+s1], $0x80, $0x38;
	[tilespmem:$0x10600] =	vst v63  }
0x39: {  	s31 =	sand.u32 $0x1FFFFFF0, s28;
	s12 =	spop (v2sf);
	s30 =	sadd.s32 s3, s10  }
0x3a: {  	(v2sf) =	vpush v4, $0x6;
	[tilespmem:s29], [sflag:$0x1] =	stream.linear.gather [hbm4b:s30+s1], $0x80, $0x38;
	[tilespmem:$0x10600] =	vst v63  }
0x3b: {  	s14 =	spop (v2sf);
	s10 =	sadd.s32 s4, s31;
	s8 =	sand.u32 $0x1FFFFFF0, s12  }
0x3c: {  	(v2sf) =	vpush v5, $0x7;
	[tilespmem:s11], [sflag:$0x2] =	stream.linear.gather [hbm4b:s10+s1], $0x80, $0x38;
	[tilespmem:$0x10600] =	vst v63  }
0x3d: {  	s12 =	simm.s32 $0xA80;
	s8 =	sadd.s32 s3, s8;
	s10 =	sand.u32 $0x1FFFFFF0, s14  }
0x3e: {  	[tilespmem:s13], [sflag:$0x1] =	stream.linear.gather [hbm4b:s8+s1], $0x80, $0x38;
	[tilespmem:$0x10600] =	vst v63  }
0x3f: {  	s30 =	simm.s32 $0x8680;
	s19 =	sadd.s32 s4, s10;
	s15 =	spop (v2sf)  }
0x40: {  	(v2sf) =	vpush v4, $0x7;
	[tilespmem:s18], [sflag:$0x2] =	stream.linear.gather [hbm4b:s19+s1], $0x80, $0x38;
	[tilespmem:$0x10600] =	vst v63  }
0x41: {  	s14 =	simm.s32 $0x8700;
	s20 =	sand.u32 $0x1FFFFFF0, s15;
	s22 =	spop (v2sf)  }
0x42: {  	(v2sf) =	vpush v5, $0x8;
	s23 =	sadd.s32 s3, s20;
	s19 =	simm.s32 $0x780;
	s25 =	spop (v2sf)  }
0x43: {  	(v2sf) =	vpush v4, $0x8;
	[tilespmem:s9], [sflag:$0x1] =	stream.linear.gather [hbm4b:s23+s1], $0x80, $0x38;
	[tilespmem:$0x10600] =	vst v63  }
0x44: {  	s7 =	sand.u32 $0x1FFFFFF0, s22;
	s22 =	simm.s32 $0x8780;
	s9 =	sand.u32 $0x1FFFFFF0, s25  }
0x45: {  	s7 =	sadd.s32 s4, s7;
	s26 =	spop (v2sf);
	(v2sf) =	vpush v5, $0x9;
	s28 =	sadd.s32 s3, s9  }
0x46: {  	[tilespmem:s24], [sflag:$0x2] =	stream.linear.gather [hbm4b:s7+s1], $0x80, $0x38;
	[tilespmem:$0x10600] =	vst v63  }
0x47: {  	s29 =	sand.u32 $0x1FFFFFF0, s26;
	s31 =	spop (v2sf);
	(v2sf) =	vpush v4, $0x9;
	s9 =	simm.s32 $0x700  }
0x48: {  	[tilespmem:s6], [sflag:$0x1] =	stream.linear.gather [hbm4b:s28+s1], $0x80, $0x38;
	[tilespmem:$0x10600] =	vst v63  }
0x49: {  	s8 =	sadd.s32 s4, s29;
	(v2sf) =	vpush v5, $0xA;
	s7 =	sand.u32 $0x1FFFFFF0, s31;
	s10 =	spop (v2sf)  }
0x4a: {  	[tilespmem:s30], [sflag:$0x2] =	stream.linear.gather [hbm4b:s8+s1], $0x80, $0x38;
	[tilespmem:$0x10600] =	vst v63  }
0x4b: {  	s7 =	sadd.s32 s3, s7;
	s13 =	spop (v2sf);
	(v2sf) =	vpush v4, $0xA;
	s8 =	sand.u32 $0x1FFFFFF0, s10  }
0x4c: {  	[tilespmem:s9], [sflag:$0x1] =	stream.linear.gather [hbm4b:s7+s1], $0x80, $0x38;
	[tilespmem:$0x10600] =	vst v63  }
0x4d: {  	s25 =	simm.s32 $0x800;
	s18 =	sand.u32 $0x1FFFFFF0, s13;
	s15 =	sadd.s32 s4, s8  }
0x4e: {  	[tilespmem:s14], [sflag:$0x2] =	stream.linear.gather [hbm4b:s15+s1], $0x80, $0x38;
	[tilespmem:$0x10600] =	vst v63  }
0x4f: {  	s29 =	simm.s32 $0x8800;
	s8 =	sadd.s32 s3, s18;
	s20 =	spop (v2sf);
	(v2sf) =	vpush v5, $0xB  }
0x50: {  	[tilespmem:s19], [sflag:$0x1] =	stream.linear.gather [hbm4b:s8+s1], $0x80, $0x38;
	[tilespmem:$0x10600] =	vst v63  }
0x51: {  	s15 =	simm.s32 $0x8880;
	(v2sf) =	vpush v4, $0xB;
	s7 =	sand.u32 $0x1FFFFFF0, s20;
	s23 =	spop (v2sf)  }
0x52: {  	s7 =	sadd.s32 s4, s7;
	s8 =	sand.u32 $0x1FFFFFF0, s23;
	s24 =	spop (v2sf)  }
0x53: {  	[tilespmem:s22], [sflag:$0x2] =	stream.linear.gather [hbm4b:s7+s1], $0x80, $0x38;
	[tilespmem:$0x10600] =	vst v63  }
0x54: {  	s26 =	sadd.s32 s3, s8;
	s28 =	sand.u32 $0x1FFFFFF0, s24;
	s30 =	spop (v2sf)  }
0x55: {  	[tilespmem:s25], [sflag:$0x1] =	stream.linear.gather [hbm4b:s26+s1], $0x80, $0x38;
	[tilespmem:$0x10600] =	vst v63  }
0x56: {  	(v2sf) =	vpush v5, $0xC;
	s8 =	sadd.s32 s4, s28;
	s7 =	sand.u32 $0x1FFFFFF0, s30;
	s13 =	spop (v2sf)  }
0x57: {  	(v2sf) =	vpush v4, $0xC;
	[tilespmem:s29], [sflag:$0x2] =	stream.linear.gather [hbm4b:s8+s1], $0x80, $0x38;
	[tilespmem:$0x10600] =	vst v63  }
0x58: {  	s7 =	sadd.s32 s3, s7;
	s14 =	spop (v2sf);
	s8 =	sand.u32 $0x1FFFFFF0, s13  }
0x59: {  	[tilespmem:s5], [sflag:$0x1] =	stream.linear.gather [hbm4b:s7+s1], $0x80, $0x38;
	[tilespmem:$0x10600] =	vst v63  }
0x5a: {  	s19 =	sand.u32 $0x1FFFFFF0, s14;
	s22 =	spop (v2sf);
	s18 =	sadd.s32 s4, s8  }
0x5b: {  	[tilespmem:s15], [sflag:$0x2] =	stream.linear.gather [hbm4b:s18+s1], $0x80, $0x38;
	[tilespmem:$0x10600] =	vst v63  }
0x5c: {  	s20 =	simm.s32 $0x900;
	s8 =	sadd.s32 s3, s19;
	s23 =	sand.u32 $0x1FFFFFF0, s22  }
0x5d: {  	[tilespmem:s20], [sflag:$0x1] =	stream.linear.gather [hbm4b:s8+s1], $0x80, $0x38;
	[tilespmem:$0x10600] =	vst v63  }
0x5e: {  	s11 =	simm.s32 $0x8A00;
	s5 =	sadd.s32 s4, s23;
	s24 =	spop (v2sf)  }
0x5f: {  	[tilespmem:s2], [sflag:$0x2] =	stream.linear.gather [hbm4b:s5+s1], $0x80, $0x38;
	[tilespmem:$0x10600] =	vst v63  }
0x60: {  	s31 =	simm.s32 $0x8980;
	s7 =	sand.u32 $0x1FFFFFF0, s24;
	s25 =	spop (v2sf)  }
0x61: {  	s26 =	simm.s32 $0x980;
	(v2sf) =	vpush v5, $0xD;
	s28 =	sadd.s32 s3, s7;
	s29 =	sand.u32 $0x1FFFFFF0, s25  }
0x62: {  	(v2sf) =	vpush v4, $0xD;
	[tilespmem:s26], [sflag:$0x1] =	stream.linear.gather [hbm4b:s28+s1], $0x80, $0x38;
	[tilespmem:$0x10600] =	vst v63  }
0x63: {  	s10 =	simm.s32 $0x8A80;
	s23 =	simm.s32 $0x8B00;
	(v2sf) =	vpush v5, $0xE;
	s30 =	sadd.s32 s4, s29  }
0x64: {  	(v2sf) =	vpush v4, $0xE;
	[tilespmem:s31], [sflag:$0x2] =	stream.linear.gather [hbm4b:s30+s1], $0x80, $0x38;
	[tilespmem:$0x10600] =	vst v63  }
0x65: {  	s20 =	sadd.s32 $0x10, s0;
	s24 =	simm.s32 $0xB00;
	(v2sf) =	vpush v5, $0xF;
	s31 =	spop (v2sf)  }
0x66: {  	s25 =	simm.s32 $0xA00;
	(v2sf) =	vpush v4, $0xF;
	s0 =	sand.u32 $0x1FFFFFF0, s31;
	s2 =	spop (v2sf)  }
.LBB2_3:
0x67: {  	_ =	sdelay $0x4  }
0x68: {  	s0 =	sadd.s32 s3, s0;
	s2 =	sand.u32 $0x1FFFFFF0, s2  }
0x69: {  	[tilespmem:s25], [sflag:$0x1] =	stream.linear.gather [hbm4b:s0+s1], $0x80, $0x38;
	[tilespmem:$0x10600] =	vst v63  }
0x6a: {  	s29 =	sadd.s32 s4, s2  }
0x6b: {  	[tilespmem:s11], [sflag:$0x2] =	stream.linear.gather [hbm4b:s29+s1], $0x80, $0x38;
	[tilespmem:$0x10600] =	vst v63  }
0x6c: {  	s5 =	spop (v2sf)  }
0x6d: {  	s30 =	sand.u32 $0x1FFFFFF0, s5;
	s31 =	spop (v2sf)  }
0x6e: {  	s2 =	sadd.s32 s3, s30;
	s5 =	sand.u32 $0x1FFFFFF0, s31;
	s6 =	spop (v2sf)  }
0x6f: {  	[tilespmem:s12], [sflag:$0x1] =	stream.linear.gather [hbm4b:s2+s1], $0x80, $0x38;
	[tilespmem:$0x10600] =	vst v63  }
0x70: {  	s7 =	sadd.s32 s4, s5;
	s8 =	sand.u32 $0x1FFFFFF0, s6;
	s9 =	spop (v2sf)  }
0x71: {  	[tilespmem:s10], [sflag:$0x2] =	stream.linear.gather [hbm4b:s7+s1], $0x80, $0x38;
	[tilespmem:$0x10600] =	vst v63  }
0x72: {  	s11 =	sand.u32 $0x1FFFFFF0, s9;
	s12 =	spop (v2sf);
	s10 =	sadd.s32 s3, s8  }
0x73: {  	[tilespmem:s24], [sflag:$0x1] =	stream.linear.gather [hbm4b:s10+s1], $0x80, $0x38;
	[tilespmem:$0x10600] =	vst v63  }
0x74: {  	s13 =	sadd.s32 s4, s11;
	s14 =	sand.u32 $0x1FFFFFF0, s12;
	s15 =	spop (v2sf)  }
0x75: {  	[tilespmem:s23], [sflag:$0x2] =	stream.linear.gather [hbm4b:s13+s1], $0x80, $0x38;
	[tilespmem:$0x10600] =	vst v63  }
0x76: {  	s18 =	sadd.s32 $0xB80, s16;
	s2 =	sadd.s32 s3, s14;
	s5 =	sand.u32 $0x1FFFFFF0, s15  }
0x77: {  	[tilespmem:s18], [sflag:$0x1] =	stream.linear.gather [hbm4b:s2+s1], $0x80, $0x38;
	[tilespmem:$0x10600] =	vst v63  }
0x78: {  	s19 =	sadd.s32 $0x8B80, s16;
	s22 =	sadd.s32 s4, s5  }
0x79: {  	[tilespmem:s19], [sflag:$0x2] =	stream.linear.gather [hbm4b:s22+s1], $0x80, $0x38;
	[tilespmem:$0x10600] =	vst v63  }
0x7a: {  	v4 =	vld [tilespmem:s20+$0x0]  }
0x7b: {  	v6 =	vld [tilespmem:s21+$0x0];
	_ =	sdelay $0x3  }
0x7c: {  	v5 =	vshll.u32 v4, $0x4  }
0x7d: {  	s23 =	smov.u32 s17;
	v4 =	vshll.u32 v6, $0x4;
	(v2sf) =	vpush v5, $0x0  }
0x7e: {  	s16 =	sshra.s32 s23, $0x2;
	(v2sf) =	vpush v4, $0x0  }
0x7f: {  	p1 =	sne.s32 s17, $0x1E000;
	s17 =	sadd.s32 $0x2000, s17;
	s28 =	sadd.s32 $0x8400, s16;
	(v2sf) =	vpush v5, $0x1  }
0x80: {  	s13 =	sadd.s32 $0x680, s16;
	s0 =	sadd.s32 $0x880, s16;
	s30 =	sadd.s32 $0x400, s16  }
0x81: {  	s14 =	sadd.s32 $0x600, s16;
	s24 =	sadd.s32 $0x8900, s16;
	s15 =	sadd.s32 $0x580, s16;
	(v2sf) =	vpush v4, $0x1  }
0x82: {  	s12 =	sadd.s32 $0x8580, s16;
	s25 =	sadd.s32 $0x8A00, s16;
	s18 =	sadd.s32 $0x500, s16  }
0x83: {  	s11 =	sadd.s32 $0x8600, s16;
	s2 =	sadd.s32 $0xA80, s16;
	s29 =	sadd.s32 $0x8480, s16;
	(v2sf) =	vpush v5, $0x2  }
0x84: {  	s9 =	sadd.s32 $0x8680, s16;
	s8 =	sadd.s32 $0x700, s16;
	[dreg:$0x7] =	wrdreg s0  }
0x85: {  	s26 =	sadd.s32 $0x8980, s16;
	s10 =	sadd.s32 $0x8A80, s16;
	[dreg:$0x5] =	wrdreg s24;
	(v2sf) =	vpush v4, $0x2  }
0x86: {  	s7 =	sadd.s32 $0x8700, s16;
	s31 =	sadd.s32 $0x8880, s16;
	[dreg:$0xc] =	wrdreg s25  }
0x87: {  	s6 =	sadd.s32 $0x900, s16;
	s5 =	sadd.s32 $0x8780, s16;
	[dreg:$0x6] =	wrdreg s26;
	(v2sf) =	vpush v5, $0x3  }
0x88: {  	s23 =	sadd.s32 $0x8B00, s16;
	s0 =	sadd.s32 $0x8500, s16;
	[dreg:$0x9] =	wrdreg s31  }
0x89: {  	[dreg:$0x8] =	wrdreg s6;
	s6 =	sadd.s32 $0x780, s16;
	s25 =	sadd.s32 $0xA00, s16;
	(v2sf) =	vpush v4, $0x3  }
0x8a: {  	s31 =	sadd.s32 $0x480, s16;
	s24 =	sadd.s32 $0xB00, s16;
	s19 =	sadd.s32 $0x8800, s16  }
0x8b: {  	s22 =	sadd.s32 $0x980, s16;
	[dreg:$0xb] =	wrdreg s19;
	s19 =	sadd.s32 $0x800, s16;
	(v2sf) =	vpush v5, $0x4  }
0x8c: {  	s20 =	sadd.s32 $0x10, s20;
	[dreg:$0xa] =	wrdreg s22;
	s26 =	spop (v2sf)  }
0x8d: {  	[dreg:$0xd] =	wrdreg s19;
	s26 =	sand.u32 $0x1FFFFFF0, s26;
	s22 =	spop (v2sf);
	(v2sf) =	vpush v4, $0x4  }
0x8e: {  	s26 =	sadd.s32 s3, s26;
	s19 =	sand.u32 $0x1FFFFFF0, s22;
	s22 =	spop (v2sf)  }
0x8f: {  	(v2sf) =	vpush v5, $0x5;
	[tilespmem:s30], [sflag:$0x1] =	stream.linear.gather [hbm4b:s26+s1], $0x80, $0x38;
	[tilespmem:$0x10600] =	vst v63  }
0x90: {  	s19 =	sadd.s32 s4, s19;
	s22 =	sand.u32 $0x1FFFFFF0, s22;
	s30 =	spop (v2sf);
	(v2sf) =	vpush v4, $0x5  }
0x91: {  	[tilespmem:s28], [sflag:$0x2] =	stream.linear.gather [hbm4b:s19+s1], $0x80, $0x38;
	[tilespmem:$0x10600] =	vst v63  }
0x92: {  	s22 =	sadd.s32 s3, s22;
	s28 =	sand.u32 $0x1FFFFFF0, s30;
	s30 =	spop (v2sf)  }
0x93: {  	(v2sf) =	vpush v5, $0x6;
	[tilespmem:s31], [sflag:$0x1] =	stream.linear.gather [hbm4b:s22+s1], $0x80, $0x38;
	[tilespmem:$0x10600] =	vst v63  }
0x94: {  	s26 =	sand.u32 $0x1FFFFFF0, s30;
	s22 =	sadd.s32 s4, s28;
	s28 =	spop (v2sf)  }
0x95: {  	(v2sf) =	vpush v4, $0x6;
	[tilespmem:s29], [sflag:$0x2] =	stream.linear.gather [hbm4b:s22+s1], $0x80, $0x38;
	[tilespmem:$0x10600] =	vst v63  }
0x96: {  	s30 =	sand.u32 $0x1FFFFFF0, s28;
	s31 =	spop (v2sf);
	s29 =	sadd.s32 s3, s26  }
0x97: {  	(v2sf) =	vpush v5, $0x7;
	[tilespmem:s18], [sflag:$0x1] =	stream.linear.gather [hbm4b:s29+s1], $0x80, $0x38;
	[tilespmem:$0x10600] =	vst v63  }
0x98: {  	s22 =	sadd.s32 s4, s30;
	s26 =	sand.u32 $0x1FFFFFF0, s31;
	s28 =	spop (v2sf)  }
0x99: {  	(v2sf) =	vpush v4, $0x7;
	[tilespmem:s0], [sflag:$0x2] =	stream.linear.gather [hbm4b:s22+s1], $0x80, $0x38;
	[tilespmem:$0x10600] =	vst v63  }
0x9a: {  	s30 =	sand.u32 $0x1FFFFFF0, s28;
	s31 =	spop (v2sf);
	s29 =	sadd.s32 s3, s26  }
0x9b: {  	[tilespmem:s15], [sflag:$0x1] =	stream.linear.gather [hbm4b:s29+s1], $0x80, $0x38;
	[tilespmem:$0x10600] =	vst v63  }
0x9c: {  	s26 =	sand.u32 $0x1FFFFFF0, s31;
	s22 =	sadd.s32 s4, s30;
	s28 =	spop (v2sf)  }
0x9d: {  	(v2sf) =	vpush v5, $0x8;
	[tilespmem:s12], [sflag:$0x2] =	stream.linear.gather [hbm4b:s22+s1], $0x80, $0x38;
	[tilespmem:$0x10600] =	vst v63  }
0x9e: {  	s21 =	sadd.s32 $0x10, s21;
	s29 =	sadd.s32 s3, s26;
	s31 =	spop (v2sf)  }
0x9f: {  	(v2sf) =	vpush v4, $0x8;
	s30 =	sand.u32 $0x1FFFFFF0, s28;
	s12 =	smov.u32 s2;
	s19 =	spop (v2sf)  }
0xa0: {  	[tilespmem:s14], [sflag:$0x1] =	stream.linear.gather [hbm4b:s29+s1], $0x80, $0x38;
	[tilespmem:$0x10600] =	vst v63  }
0xa1: {  	(v2sf) =	vpush v5, $0x9;
	s18 =	sand.u32 $0x1FFFFFF0, s31;
	s14 =	sadd.s32 s4, s30;
	s26 =	sand.u32 $0x1FFFFFF0, s19  }
0xa2: {  	(v2sf) =	vpush v4, $0x9;
	s22 =	sadd.s32 s3, s18;
	s28 =	spop (v2sf);
	s29 =	sadd.s32 s4, s26  }
0xa3: {  	[tilespmem:s11], [sflag:$0x2] =	stream.linear.gather [hbm4b:s14+s1], $0x80, $0x38;
	[tilespmem:$0x10600] =	vst v63  }
0xa4: {  	s30 =	sand.u32 $0x1FFFFFF0, s28;
	s11 =	rddreg [dreg:$0xc];
	s31 =	spop (v2sf)  }
0xa5: {  	[tilespmem:s13], [sflag:$0x1] =	stream.linear.gather [hbm4b:s22+s1], $0x80, $0x38;
	[tilespmem:$0x10600] =	vst v63  }
0xa6: {  	(v2sf) =	vpush v5, $0xA;
	s13 =	sadd.s32 s3, s30;
	s14 =	sand.u32 $0x1FFFFFF0, s31;
	s15 =	spop (v2sf)  }
0xa7: {  	[tilespmem:s9], [sflag:$0x2] =	stream.linear.gather [hbm4b:s29+s1], $0x80, $0x38;
	[tilespmem:$0x10600] =	vst v63  }
0xa8: {  	(v2sf) =	vpush v4, $0xA;
	s18 =	sadd.s32 s4, s14;
	s19 =	sand.u32 $0x1FFFFFF0, s15;
	s22 =	spop (v2sf)  }
0xa9: {  	[tilespmem:s8], [sflag:$0x1] =	stream.linear.gather [hbm4b:s13+s1], $0x80, $0x38;
	[tilespmem:$0x10600] =	vst v63  }
0xaa: {  	(v2sf) =	vpush v5, $0xB;
	s15 =	rddreg [dreg:$0xb];
	s26 =	sadd.s32 s3, s19;
	s28 =	sand.u32 $0x1FFFFFF0, s22  }
0xab: {  	[tilespmem:s7], [sflag:$0x2] =	stream.linear.gather [hbm4b:s18+s1], $0x80, $0x38;
	[tilespmem:$0x10600] =	vst v63  }
0xac: {  	(v2sf) =	vpush v4, $0xB;
	s29 =	spop (v2sf);
	s30 =	sadd.s32 s4, s28;
	s8 =	rddreg [dreg:$0xd]  }
0xad: {  	[tilespmem:s6], [sflag:$0x1] =	stream.linear.gather [hbm4b:s26+s1], $0x80, $0x38;
	[tilespmem:$0x10600] =	vst v63  }
0xae: {  	s31 =	sand.u32 $0x1FFFFFF0, s29;
	s2 =	spop (v2sf);
	s26 =	rddreg [dreg:$0x7]  }
0xaf: {  	(v2sf) =	vpush v5, $0xC;
	[tilespmem:s5], [sflag:$0x2] =	stream.linear.gather [hbm4b:s30+s1], $0x80, $0x38;
	[tilespmem:$0x10600] =	vst v63  }
0xb0: {  	s6 =	sand.u32 $0x1FFFFFF0, s2;
	s7 =	spop (v2sf);
	s5 =	sadd.s32 s3, s31  }
0xb1: {  	(v2sf) =	vpush v4, $0xC;
	s9 =	sadd.s32 s4, s6;
	s13 =	sand.u32 $0x1FFFFFF0, s7;
	s14 =	spop (v2sf)  }
0xb2: {  	[tilespmem:s8], [sflag:$0x1] =	stream.linear.gather [hbm4b:s5+s1], $0x80, $0x38;
	[tilespmem:$0x10600] =	vst v63  }
0xb3: {  	s31 =	rddreg [dreg:$0x9];
	s18 =	sadd.s32 s3, s13;
	s19 =	sand.u32 $0x1FFFFFF0, s14  }
0xb4: {  	[tilespmem:s15], [sflag:$0x2] =	stream.linear.gather [hbm4b:s9+s1], $0x80, $0x38;
	[tilespmem:$0x10600] =	vst v63  }
0xb5: {  	s13 =	rddreg [dreg:$0x8];
	s22 =	spop (v2sf);
	s28 =	sadd.s32 s4, s19  }
0xb6: {  	[tilespmem:s26], [sflag:$0x1] =	stream.linear.gather [hbm4b:s18+s1], $0x80, $0x38;
	[tilespmem:$0x10600] =	vst v63  }
0xb7: {  	s19 =	rddreg [dreg:$0x5];
	s29 =	sand.u32 $0x1FFFFFF0, s22;
	s30 =	spop (v2sf)  }
0xb8: {  	[tilespmem:s31], [sflag:$0x2] =	stream.linear.gather [hbm4b:s28+s1], $0x80, $0x38;
	[tilespmem:$0x10600] =	vst v63  }
0xb9: {  	s7 =	sadd.s32 s3, s29;
	s8 =	sand.u32 $0x1FFFFFF0, s30;
	s9 =	spop (v2sf)  }
0xba: {  	[tilespmem:s13], [sflag:$0x1] =	stream.linear.gather [hbm4b:s7+s1], $0x80, $0x38;
	[tilespmem:$0x10600] =	vst v63  }
0xbb: {  	s29 =	rddreg [dreg:$0xa];
	s14 =	sadd.s32 s4, s8;
	s18 =	spop (v2sf)  }
0xbc: {  	(v2sf) =	vpush v5, $0xD;
	[tilespmem:s19], [sflag:$0x2] =	stream.linear.gather [hbm4b:s14+s1], $0x80, $0x38;
	[tilespmem:$0x10600] =	vst v63  }
.Ltmp0:
0xbd: {  	(v2sf) =	vpush v4, $0xD;
	s15 =	sand.u32 $0x1FFFFFF0, s9;
	s26 =	sand.u32 $0x1FFFFFF0, s18;
	(pc) =	sbr.rel @p1 .LBB2_3-.Ltmp0, $4  }
0xbe: {  	(v2sf) =	vpush v5, $0xE;
	s22 =	sadd.s32 s3, s15;
	s28 =	spop (v2sf);
	s30 =	sadd.s32 s4, s26  }
0xbf: {  	(v2sf) =	vpush v4, $0xE;
	[tilespmem:s29], [sflag:$0x1] =	stream.linear.gather [hbm4b:s22+s1], $0x80, $0x38;
	[tilespmem:$0x10600] =	vst v63  }
0xc0: {  	(v2sf) =	vpush v5, $0xF;
	s31 =	rddreg [dreg:$0x6];
	s0 =	sand.u32 $0x1FFFFFF0, s28;
	s2 =	spop (v2sf)  }
0xc1: {  	(v2sf) =	vpush v4, $0xF;
	[tilespmem:s31], [sflag:$0x2] =	stream.linear.gather [hbm4b:s30+s1], $0x80, $0x38;
	[tilespmem:$0x10600] =	vst v63  }
0xc2: {  	_ =	sdelay $0x4  }
0xc3: {  	s0 =	sadd.s32 s3, s0;
	s2 =	sand.u32 $0x1FFFFFF0, s2  }
0xc4: {  	[tilespmem:s25], [sflag:$0x1] =	stream.linear.gather [hbm4b:s0+s1], $0x80, $0x38;
	[tilespmem:$0x10600] =	vst v63  }
0xc5: {  	s6 =	sadd.s32 s4, s2  }
0xc6: {  	[tilespmem:s11], [sflag:$0x2] =	stream.linear.gather [hbm4b:s6+s1], $0x80, $0x38;
	[tilespmem:$0x10600] =	vst v63  }
0xc7: {  	s5 =	spop (v2sf)  }
0xc8: {  	s7 =	sand.u32 $0x1FFFFFF0, s5;
	s8 =	spop (v2sf)  }
0xc9: {  	s9 =	sadd.s32 s3, s7;
	s11 =	sand.u32 $0x1FFFFFF0, s8;
	s13 =	spop (v2sf)  }
0xca: {  	[tilespmem:s12], [sflag:$0x1] =	stream.linear.gather [hbm4b:s9+s1], $0x80, $0x38;
	[tilespmem:$0x10600] =	vst v63  }
0xcb: {  	s14 =	sadd.s32 s4, s11;
	s15 =	sand.u32 $0x1FFFFFF0, s13;
	s17 =	spop (v2sf)  }
0xcc: {  	[tilespmem:s10], [sflag:$0x2] =	stream.linear.gather [hbm4b:s14+s1], $0x80, $0x38;
	[tilespmem:$0x10600] =	vst v63  }
0xcd: {  	s18 =	sadd.s32 s3, s15;
	s19 =	sand.u32 $0x1FFFFFF0, s17;
	s20 =	spop (v2sf)  }
0xce: {  	[tilespmem:s24], [sflag:$0x1] =	stream.linear.gather [hbm4b:s18+s1], $0x80, $0x38;
	[tilespmem:$0x10600] =	vst v63  }
0xcf: {  	s21 =	sadd.s32 s4, s19;
	s22 =	sand.u32 $0x1FFFFFF0, s20;
	s24 =	spop (v2sf)  }
0xd0: {  	[tilespmem:s23], [sflag:$0x2] =	stream.linear.gather [hbm4b:s21+s1], $0x80, $0x38;
	[tilespmem:$0x10600] =	vst v63  }
0xd1: {  	s25 =	sadd.s32 $0xB80, s16;
	s2 =	sadd.s32 s3, s22;
	s5 =	sand.u32 $0x1FFFFFF0, s24  }
0xd2: {  	[tilespmem:s25], [sflag:$0x1] =	stream.linear.gather [hbm4b:s2+s1], $0x80, $0x38;
	[tilespmem:$0x10600] =	vst v63  }
0xd3: {  	s26 =	sadd.s32 $0x8B80, s16;
	s29 =	simm.s32 $0x1;
	s28 =	sadd.s32 s4, s5  }
0xd4: {  	[tilespmem:s26], [sflag:$0x2] =	stream.linear.gather [hbm4b:s28+s1], $0x80, $0x38;
	[tilespmem:$0x10600] =	vst v63  }
0xd5: {  	_ =	swait.ge [sflag:s29], $0x8000  }
0xd6: {  	[sflag:s29] =	ssyncset.done $0x0  }
0xd7: {  	s30 =	simm.s32 $0x2;
	[sflag:s29] =	ssyncadd.s32 $0xFFFF8000  }
0xd8: {  	_ =	swait.ge [sflag:s30], $0x8000  }
0xd9: {  	[sflag:s30] =	ssyncset.done $0x0  }
0xda: {  	s16 =	simm.s32 $0x8800;
	[sflag:s30] =	ssyncadd.s32 $0xFFFF8000  }
0xdb: {  	s17 =	simm.s32 $0x800;
	v4 =	vld [tilespmem:s16+$0xFFFFFC00]  }
0xdc: {  	v5 =	vld [tilespmem:s17+$0xFFFFFC00]  }
0xdd: {  	v6 =	vld [tilespmem:s17+$0xFFFFFC10]  }
0xde: {  	v7 =	vld [tilespmem:s16+$0xFFFFFC10]  }
0xdf: {  	v8 =	vld [tilespmem:s17+$0xFFFFFC80]  }
0xe0: {  	v9 =	vld [tilespmem:s16+$0xFFFFFC80]  }
0xe1: {  	v10 =	vld [tilespmem:s17+$0xFFFFFC90]  }
0xe2: {  	v11 =	vld [tilespmem:s16+$0xFFFFFC90]  }
0xe3: {  	v12 =	vld [tilespmem:s17+$0xFFFFFD00]  }
0xe4: {  	v13 =	vld [tilespmem:s16+$0xFFFFFD00]  }
0xe5: {  	v14 =	vld [tilespmem:s17+$0xFFFFFD10]  }
0xe6: {  	v15 =	vld [tilespmem:s16+$0xFFFFFD10]  }
0xe7: {  	v16 =	vld [tilespmem:s17+$0xFFFFFD80]  }
0xe8: {  	v17 =	vld [tilespmem:s16+$0xFFFFFD80]  }
0xe9: {  	v18 =	vld [tilespmem:s17+$0xFFFFFD90]  }
0xea: {  	v19 =	vld [tilespmem:s16+$0xFFFFFD90]  }
0xeb: {  	v20 =	vld [tilespmem:s17+$0xFFFFFE00]  }
0xec: {  	v21 =	vld [tilespmem:s16+$0xFFFFFE00]  }
0xed: {  	v22 =	vld [tilespmem:s17+$0xFFFFFE10]  }
0xee: {  	v23 =	vld [tilespmem:s16+$0xFFFFFE10]  }
0xef: {  	v24 =	vld [tilespmem:s17+$0xFFFFFE80]  }
0xf0: {  	v25 =	vld [tilespmem:s16+$0xFFFFFE80]  }
0xf1: {  	v26 =	vld [tilespmem:s17+$0xFFFFFE90]  }
0xf2: {  	v27 =	vld [tilespmem:s16+$0xFFFFFE90]  }
0xf3: {  	v28 =	vld [tilespmem:s17+$0xFFFFFF00]  }
0xf4: {  	v29 =	vld [tilespmem:s16+$0xFFFFFF00]  }
0xf5: {  	v30 =	vld [tilespmem:s17+$0xFFFFFF10]  }
0xf6: {  	v31 =	vld [tilespmem:s16+$0xFFFFFF10]  }
0xf7: {  	v32 =	vld [tilespmem:s17+$0xFFFFFF80]  }
0xf8: {  	v33 =	vld [tilespmem:s16+$0xFFFFFF80]  }
0xf9: {  	v34 =	vld [tilespmem:s17+$0xFFFFFF90]  }
0xfa: {  	v35 =	vld [tilespmem:s16+$0xFFFFFF90]  }
0xfb: {  	v36 =	vld [tilespmem:s17+$0x0]  }
0xfc: {  	v37 =	vld [tilespmem:s16+$0x0]  }
0xfd: {  	v38 =	vld [tilespmem:s17+$0x10]  }
0xfe: {  	v39 =	vld [tilespmem:s16+$0x10]  }
0xff: {  	v40 =	vld [tilespmem:s17+$0x80]  }
0x100: {  	v41 =	vld [tilespmem:s16+$0x80]  }
0x101: {  	v42 =	vld [tilespmem:s17+$0x90]  }
0x102: {  	v43 =	vld [tilespmem:s16+$0x90]  }
0x103: {  	v44 =	vld [tilespmem:s17+$0x100]  }
0x104: {  	v45 =	vld [tilespmem:s16+$0x100];
	v4 =	vmul.f32 v4, v5;
	v5 =	vmul.f32 v7, v6  }
0x105: {  	v46 =	vld [tilespmem:s17+$0x110];
	v6 =	vmul.f32 v9, v8;
	v7 =	vmul.f32 v11, v10  }
0x106: {  	v47 =	vld [tilespmem:s16+$0x110];
	v8 =	vmul.f32 v15, v14;
	v10 =	vadd.f32 v5, v4;
	v5 =	vmul.f32 v13, v12  }
0x107: {  	v9 =	vmul.f32 v19, v18;
	v6 =	vadd.f32 v7, v6;
	v7 =	vmul.f32 v17, v16;
	v4 =	vld [tilespmem:s17+$0x180]  }
0x108: {  	v11 =	vadd.f32 v8, v5;
	v5 =	vld [tilespmem:s16+$0x180]  }
0x109: {  	v12 =	vadd.f32 v9, v7;
	v7 =	vld [tilespmem:s17+$0x190]  }
0x10a: {  	v18 =	vmul.f32 v23, v22;
	v17 =	vmul.f32 v21, v20;
	v8 =	vld [tilespmem:s16+$0x190]  }
0x10b: {  	v19 =	vmul.f32 v27, v26;
	v9 =	vld [tilespmem:s17+$0x200]  }
0x10c: {  	v13 =	vperm.xlane v10, v0;
	v14 =	vperm.xlane v6, v0;
	v20 =	vadd.f32 v18, v17;
	v17 =	vld [tilespmem:s17+$0x290]  }
0x10d: {  	v26 =	vmul.f32 v31, v30;
	v18 =	vld [tilespmem:s16+$0x290];
	v15 =	vperm.xlane v11, v0  }
0x10e: {  	v16 =	vadd.f32 v13, v10;
	v6 =	vadd.f32 v14, v6;
	v14 =	vperm.xlane v12, v0;
	v10 =	vld [tilespmem:s16+$0x200]  }
0x10f: {  	v27 =	vmul.f32 v33, v32;
	v13 =	vld [tilespmem:s17+$0x210];
	v11 =	vadd.f32 v15, v11;
	v15 =	vmul.f32 v25, v24  }
0x110: {  	v30 =	vmul.f32 v37, v36;
	v22 =	vperm.xlane v20, v0;
	v12 =	vadd.f32 v14, v12;
	v14 =	vld [tilespmem:s16+$0x210]  }
0x111: {  	v31 =	vmul.f32 v39, v38;
	v6 =	vsel vm0, v16, v6;
	v16 =	vld [tilespmem:s16+$0x280];
	v21 =	vadd.f32 v19, v15  }
0x112: {  	v60 =	vmul.f32 v41, v40;
	v25 =	vmul.f32 v29, v28;
	v29 =	vadd.f32 v22, v20;
	v20 =	vld [tilespmem:s16+$0x300]  }
0x113: {  	v61 =	vmul.f32 v43, v42;
	v22 =	vld [tilespmem:s16+$0x310];
	v24 =	vperm.xlane v21, v0  }
0x114: {  	v32 =	vmul.f32 v45, v44;
	v28 =	vmul.f32 v35, v34;
	v15 =	vld [tilespmem:s17+$0x280];
	v11 =	vsel vm0, v11, v12  }
0x115: {  	v12 =	vperm.xlane v6, v1;
	v19 =	vld [tilespmem:s17+$0x300];
	v62 =	vadd.f32 v26, v25;
	v24 =	vadd.f32 v24, v21  }
0x116: {  	v35 =	vmul.f32 v47, v46;
	v28 =	vadd.f32 v28, v27;
	v25 =	vld [tilespmem:s16+$0x380];
	v23 =	vperm.xlane v11, v1  }
0x117: {  	v27 =	vld [tilespmem:s17+$0x390];
	v6 =	vadd.f32 v12, v6;
	v63 =	vperm.xlane v62, v0;
	v12 =	vsel vm0, v29, v24  }
0x118: {  	v26 =	vadd.f32 v61, v60;
	v21 =	vld [tilespmem:s17+$0x310];
	v29 =	vadd.f32 v31, v30;
	v30 =	vperm.xlane v12, v1  }
0x119: {  	s31 =	rddreg [dreg:$0x13];
	v33 =	vperm.xlane v28, v0;
	v11 =	vadd.f32 v23, v11;
	v23 =	vadd.f32 v63, v62;
	v24 =	vld [tilespmem:s17+$0x380]  }
0x11a: {  	s19 =	simm.s32 $0x10;
	s18 =	simm.s32 $0x0;
	s15 =	sadd.s32 $0x10400, s31;
	v31 =	vperm.xlane v26, v0;
	v34 =	vperm.xlane v29, v0;
	v12 =	vadd.f32 v30, v12;
	v30 =	vld [tilespmem:s16+$0x390]  }
.LBB2_5:
0x11b: {  	p1 =	sne.s32 s19, $0xF0;
	v4 =	vmul.f32 v5, v4;
	v5 =	vmul.f32 v8, v7;
	v7 =	vadd.f32 v33, v28  }
0x11c: {  	v8 =	vmul.f32 v10, v9;
	v9 =	vmul.f32 v14, v13;
	v10 =	vadd.f32 v34, v29  }
0x11d: {  	v13 =	vmul.f32 v16, v15;
	v14 =	vmul.f32 v18, v17;
	v15 =	vadd.f32 v31, v26  }
0x11e: {  	v17 =	vmul.f32 v20, v19;
	v18 =	vmul.f32 v22, v21;
	v16 =	vadd.f32 v35, v32  }
0x11f: {  	v4 =	vadd.f32 v5, v4;
	v5 =	vmul.f32 v25, v24;
	v19 =	vmul.f32 v30, v27  }
0x120: {  	v8 =	vadd.f32 v9, v8;
	v9 =	vadd.f32 v14, v13;
	v13 =	vperm.xlane v16, v0  }
0x121: {  	v14 =	vadd.f32 v18, v17;
	v17 =	vperm.xlane v4, v0;
	v5 =	vadd.f32 v19, v5  }
0x122: {  	v18 =	vperm.xlane v9, v0;
	v13 =	vadd.f32 v13, v16;
	v16 =	vperm.xlane v8, v0  }
0x123: {  	v4 =	vadd.f32 v17, v4;
	v17 =	vperm.xlane v14, v0;
	v19 =	vperm.xlane v5, v0  }
0x124: {  	v7 =	vsel vm0, v23, v7;
	v9 =	vadd.f32 v18, v9;
	v8 =	vadd.f32 v16, v8  }
0x125: {  	v10 =	vsel vm0, v10, v15;
	v14 =	vadd.f32 v17, v14;
	v5 =	vadd.f32 v19, v5  }
0x126: {  	v15 =	vperm.xlane v10, v1;
	v4 =	vsel vm0, v13, v4;
	v13 =	vperm.xlane v7, v1  }
0x127: {  	v8 =	vsel vm0, v8, v9;
	v9 =	vperm.xlane v4, v1;
	v5 =	vsel vm0, v14, v5  }
0x128: {  	v7 =	vadd.f32 v13, v7;
	v13 =	vperm.xlane v8, v1;
	v14 =	vperm.xlane v5, v1  }
0x129: {  	v10 =	vadd.f32 v15, v10;
	v4 =	vadd.f32 v9, v4  }
0x12a: {  	v6 =	vsel vm1, v6, v11;
	v8 =	vadd.f32 v13, v8;
	v5 =	vadd.f32 v14, v5  }
0x12b: {  	v9 =	vperm.xlane v6, v2;
	v7 =	vsel vm1, v12, v7  }
0x12c: {  	v4 =	vsel vm1, v10, v4;
	v5 =	vsel vm1, v8, v5;
	v8 =	vperm.xlane v7, v2  }
0x12d: {  	v10 =	vperm.xlane v4, v2;
	v11 =	vperm.xlane v5, v2  }
0x12e: {  	v6 =	vadd.f32 v9, v6;
	v7 =	vadd.f32 v8, v7  }
0x12f: {  	v4 =	vadd.f32 v10, v4;
	v5 =	vadd.f32 v11, v5;
	_ =	sdelay $0x1  }
0x130: {  	v6 =	vsel vm2, v6, v7;
	v4 =	vsel vm2, v4, v5  }
0x131: {  	v5 =	vperm.xlane v6, v3;
	v7 =	vperm.xlane v4, v3;
	_ =	sdelay $0x1  }
0x132: {  	s0 =	sand.u32 $0x80, s18;
	v5 =	vadd.f32 v5, v6;
	v4 =	vadd.f32 v7, v4  }
0x133: {  	s2 =	sand.u32 $0x70, s18;
	s18 =	smov.u32 s19;
	s0 =	sadd.s32 s0, s15  }
0x134: {  	s0 =	sadd.s32 s2, s0;
	v4 =	vsel vm3, v5, v4  }
0x135: {  	s16 =	sadd.s32 $0x800, s16;
	[tilespmem:s0+$0x0] =	vst v4  }
0x136: {  	s17 =	sadd.s32 $0x800, s17;
	v4 =	vld [tilespmem:s16+$0xFFFFFC00]  }
0x137: {  	v5 =	vld [tilespmem:s17+$0xFFFFFC00]  }
0x138: {  	v6 =	vld [tilespmem:s17+$0xFFFFFC10]  }
0x139: {  	v7 =	vld [tilespmem:s16+$0xFFFFFC10]  }
0x13a: {  	v8 =	vld [tilespmem:s17+$0xFFFFFC80]  }
0x13b: {  	v9 =	vld [tilespmem:s16+$0xFFFFFC80]  }
0x13c: {  	v10 =	vld [tilespmem:s17+$0xFFFFFC90]  }
0x13d: {  	v11 =	vld [tilespmem:s16+$0xFFFFFC90]  }
0x13e: {  	v12 =	vld [tilespmem:s17+$0xFFFFFD00]  }
0x13f: {  	v13 =	vld [tilespmem:s16+$0xFFFFFD00]  }
0x140: {  	v14 =	vld [tilespmem:s17+$0xFFFFFD10]  }
0x141: {  	v15 =	vld [tilespmem:s16+$0xFFFFFD10]  }
0x142: {  	v16 =	vld [tilespmem:s17+$0xFFFFFD80]  }
0x143: {  	v17 =	vld [tilespmem:s16+$0xFFFFFD80]  }
0x144: {  	v18 =	vld [tilespmem:s17+$0xFFFFFD90]  }
0x145: {  	v19 =	vld [tilespmem:s16+$0xFFFFFD90]  }
0x146: {  	v20 =	vld [tilespmem:s17+$0xFFFFFE00]  }
0x147: {  	v21 =	vld [tilespmem:s16+$0xFFFFFE00]  }
0x148: {  	v22 =	vld [tilespmem:s17+$0xFFFFFE10]  }
0x149: {  	v23 =	vld [tilespmem:s16+$0xFFFFFE10]  }
0x14a: {  	v24 =	vld [tilespmem:s17+$0xFFFFFE80]  }
0x14b: {  	v25 =	vld [tilespmem:s16+$0xFFFFFE80]  }
0x14c: {  	v26 =	vld [tilespmem:s17+$0xFFFFFE90]  }
0x14d: {  	v27 =	vld [tilespmem:s16+$0xFFFFFE90]  }
0x14e: {  	v28 =	vld [tilespmem:s17+$0xFFFFFF00]  }
0x14f: {  	v29 =	vld [tilespmem:s16+$0xFFFFFF00]  }
0x150: {  	v30 =	vld [tilespmem:s17+$0xFFFFFF10]  }
0x151: {  	v31 =	vld [tilespmem:s16+$0xFFFFFF10]  }
0x152: {  	v32 =	vld [tilespmem:s17+$0xFFFFFF80]  }
0x153: {  	v33 =	vld [tilespmem:s16+$0xFFFFFF80]  }
0x154: {  	v34 =	vld [tilespmem:s17+$0xFFFFFF90]  }
0x155: {  	v35 =	vld [tilespmem:s16+$0xFFFFFF90]  }
0x156: {  	v36 =	vld [tilespmem:s17+$0x0]  }
0x157: {  	v37 =	vld [tilespmem:s16+$0x0]  }
0x158: {  	v38 =	vld [tilespmem:s17+$0x10]  }
0x159: {  	v39 =	vld [tilespmem:s16+$0x10]  }
0x15a: {  	v40 =	vld [tilespmem:s17+$0x80]  }
0x15b: {  	v41 =	vld [tilespmem:s16+$0x80]  }
0x15c: {  	v42 =	vld [tilespmem:s17+$0x90]  }
0x15d: {  	v43 =	vld [tilespmem:s16+$0x90]  }
0x15e: {  	v44 =	vld [tilespmem:s17+$0x100]  }
0x15f: {  	v4 =	vmul.f32 v4, v5;
	v5 =	vmul.f32 v7, v6;
	v45 =	vld [tilespmem:s16+$0x100]  }
0x160: {  	v6 =	vmul.f32 v9, v8;
	v7 =	vmul.f32 v11, v10;
	v46 =	vld [tilespmem:s17+$0x110]  }
0x161: {  	v10 =	vadd.f32 v5, v4;
	v5 =	vmul.f32 v13, v12;
	v8 =	vmul.f32 v15, v14;
	v47 =	vld [tilespmem:s16+$0x110]  }
0x162: {  	v6 =	vadd.f32 v7, v6;
	v7 =	vmul.f32 v17, v16;
	v9 =	vmul.f32 v19, v18;
	v4 =	vld [tilespmem:s17+$0x180]  }
0x163: {  	v11 =	vadd.f32 v8, v5;
	v5 =	vld [tilespmem:s16+$0x180]  }
0x164: {  	v13 =	vperm.xlane v10, v0;
	v14 =	vperm.xlane v6, v0;
	v12 =	vadd.f32 v9, v7;
	v7 =	vld [tilespmem:s17+$0x190]  }
0x165: {  	v15 =	vperm.xlane v11, v0;
	v8 =	vld [tilespmem:s16+$0x190]  }
0x166: {  	v16 =	vadd.f32 v13, v10;
	v6 =	vadd.f32 v14, v6;
	v14 =	vperm.xlane v12, v0;
	v9 =	vld [tilespmem:s17+$0x200]  }
0x167: {  	v17 =	vmul.f32 v21, v20;
	v11 =	vadd.f32 v15, v11;
	v18 =	vmul.f32 v23, v22;
	v10 =	vld [tilespmem:s16+$0x200]  }
0x168: {  	v15 =	vmul.f32 v25, v24;
	v12 =	vadd.f32 v14, v12;
	v19 =	vmul.f32 v27, v26;
	v13 =	vld [tilespmem:s17+$0x210]  }
0x169: {  	v6 =	vsel vm0, v16, v6;
	v14 =	vld [tilespmem:s16+$0x210]  }
0x16a: {  	v20 =	vadd.f32 v18, v17;
	v11 =	vsel vm0, v11, v12;
	v21 =	vadd.f32 v19, v15;
	v15 =	vld [tilespmem:s17+$0x280]  }
0x16b: {  	v12 =	vperm.xlane v6, v1;
	v23 =	vperm.xlane v11, v1;
	v16 =	vld [tilespmem:s16+$0x280]  }
0x16c: {  	v22 =	vperm.xlane v20, v0;
	v24 =	vperm.xlane v21, v0;
	v17 =	vld [tilespmem:s17+$0x290]  }
0x16d: {  	v25 =	vmul.f32 v29, v28;
	v26 =	vmul.f32 v31, v30;
	v18 =	vld [tilespmem:s16+$0x290]  }
0x16e: {  	v29 =	vadd.f32 v22, v20;
	v27 =	vmul.f32 v33, v32;
	v28 =	vmul.f32 v35, v34;
	v19 =	vld [tilespmem:s17+$0x300]  }
0x16f: {  	v24 =	vadd.f32 v24, v21;
	v30 =	vmul.f32 v37, v36;
	v31 =	vmul.f32 v39, v38;
	v20 =	vld [tilespmem:s16+$0x300]  }
0x170: {  	v6 =	vadd.f32 v12, v6;
	v32 =	vmul.f32 v41, v40;
	v33 =	vmul.f32 v43, v42;
	v21 =	vld [tilespmem:s17+$0x310]  }
.Ltmp1:
0x171: {  	v12 =	vsel vm0, v29, v24;
	v36 =	vadd.f32 v26, v25;
	v28 =	vadd.f32 v28, v27;
	v22 =	vld [tilespmem:s16+$0x310];
	(pc) =	sbr.rel @p1 .LBB2_5-.Ltmp1, $4  }
0x172: {  	v29 =	vadd.f32 v31, v30;
	v30 =	vperm.xlane v12, v1;
	v26 =	vadd.f32 v33, v32;
	v24 =	vld [tilespmem:s17+$0x380]  }
0x173: {  	v11 =	vadd.f32 v23, v11;
	v37 =	vperm.xlane v36, v0;
	v33 =	vperm.xlane v28, v0;
	v25 =	vld [tilespmem:s16+$0x380]  }
0x174: {  	v34 =	vperm.xlane v29, v0;
	v12 =	vadd.f32 v30, v12;
	v31 =	vperm.xlane v26, v0;
	v27 =	vld [tilespmem:s17+$0x390]  }
0x175: {  	s19 =	sadd.s32 $0x10, s19;
	v23 =	vadd.f32 v37, v36;
	v32 =	vmul.f32 v45, v44;
	v35 =	vmul.f32 v47, v46;
	v30 =	vld [tilespmem:s16+$0x390]  }
0x176: {  	v4 =	vmul.f32 v5, v4  }
0x177: {  	v5 =	vmul.f32 v8, v7;
	v40 =	vmul.f32 v10, v9  }
0x178: {  	v39 =	vadd.f32 v33, v28;
	v41 =	vmul.f32 v14, v13;
	v43 =	vmul.f32 v16, v15  }
0x179: {  	v42 =	vadd.f32 v34, v29;
	v44 =	vmul.f32 v18, v17;
	v47 =	vmul.f32 v20, v19  }
0x17a: {  	v48 =	vmul.f32 v22, v21;
	v46 =	vadd.f32 v35, v32;
	v4 =	vadd.f32 v5, v4  }
0x17b: {  	v5 =	vmul.f32 v25, v24;
	v8 =	vadd.f32 v41, v40;
	v49 =	vmul.f32 v30, v27  }
0x17c: {  	v50 =	vadd.f32 v44, v43;
	v52 =	vadd.f32 v48, v47;
	v51 =	vperm.xlane v46, v0  }
0x17d: {  	v53 =	vperm.xlane v4, v0;
	v54 =	vperm.xlane v8, v0;
	v5 =	vadd.f32 v49, v5  }
0x17e: {  	v45 =	vadd.f32 v31, v26;
	v55 =	vperm.xlane v50, v0;
	v56 =	vperm.xlane v52, v0  }
0x17f: {  	v13 =	vadd.f32 v51, v46;
	v4 =	vadd.f32 v53, v4;
	v19 =	vperm.xlane v5, v0  }
0x180: {  	v7 =	vsel vm0, v23, v39;
	v8 =	vadd.f32 v54, v8;
	v9 =	vadd.f32 v55, v50  }
0x181: {  	v10 =	vsel vm0, v42, v45;
	v14 =	vadd.f32 v56, v52;
	v5 =	vadd.f32 v19, v5  }
0x182: {  	v57 =	vperm.xlane v7, v1;
	v15 =	vperm.xlane v10, v1;
	v4 =	vsel vm0, v13, v4  }
0x183: {  	v8 =	vsel vm0, v8, v9;
	v58 =	vperm.xlane v4, v1;
	v5 =	vsel vm0, v14, v5  }
0x184: {  	v7 =	vadd.f32 v57, v7;
	v59 =	vperm.xlane v8, v1;
	v14 =	vperm.xlane v5, v1  }
0x185: {  	v10 =	vadd.f32 v15, v10;
	v4 =	vadd.f32 v58, v4  }
0x186: {  	v6 =	vsel vm1, v6, v11;
	v8 =	vadd.f32 v59, v8;
	v5 =	vadd.f32 v14, v5  }
0x187: {  	v60 =	vperm.xlane v6, v2;
	v7 =	vsel vm1, v12, v7  }
0x188: {  	v61 =	vperm.xlane v7, v2;
	v4 =	vsel vm1, v10, v4;
	v5 =	vsel vm1, v8, v5  }
0x189: {  	v10 =	vperm.xlane v4, v2;
	v62 =	vperm.xlane v5, v2  }
0x18a: {  	v6 =	vadd.f32 v60, v6;
	v7 =	vadd.f32 v61, v7  }
0x18b: {  	v4 =	vadd.f32 v10, v4;
	v5 =	vadd.f32 v62, v5;
	_ =	sdelay $0x1  }
0x18c: {  	v6 =	vsel vm2, v6, v7;
	v4 =	vsel vm2, v4, v5  }
0x18d: {  	v5 =	vperm.xlane v6, v3;
	v63 =	vperm.xlane v4, v3  }
.Ltmp2:
0x18e: {  	_ = 	snop;
	(pc) =	sbr.rel @p0 .LBB2_2-.Ltmp2, $4  }
0x18f: {  	s0 =	sand.u32 $0x80, s18;
	v5 =	vadd.f32 v5, v6;
	v4 =	vadd.f32 v63, v4  }
0x190: {  	s2 =	sand.u32 $0x70, s18;
	s0 =	sadd.s32 s0, s15  }
0x191: {  	s0 =	sadd.s32 s2, s0;
	v4 =	vsel vm3, v5, v4  }
0x192: {  	p1 =	por $0x0, $0x0;
	[tilespmem:s0+$0x0] =	vst v4;
	s0 =	simm.s32 $0x100  }
0x193: {  	s0 =	rddreg [dreg:$0x10];
	s2 =	simm.s32 $0x10400  }
0x194: {  	[hbm4b:s0+s1] =	stream.linear.scatter [tilespmem:s2], [sflag:$0x3], $0x200, $0x38;
	[tilespmem:$0x10600] =	vst v63  }
0x195: {  	s2 =	simm.s32 $0x3  }
0x196: {  	_ =	swait.ge [sflag:s2], $0x200  }
0x197: {  	s5 =	rddreg [dreg:$0x12]  }
0x198: {  	s31 =	rddreg [dreg:$0x11];
	s5 =	sadd.s32 $0x1, s5  }
0x199: {  	p0 =	sne.s32 s5, s31  }
.Ltmp3:
0x19a: {  	_ = 	snop;
	(pc) =	sbr.rel @p0 .LBB2_1-.Ltmp3, $3  }
0x19b: {  	_ =	sdelay $0x1  }
0x19c: {  	[sflag:s2] =	ssyncset.done $0x0  }
0x19d: {  	[sflag:s2] =	ssyncadd.s32 $0xFFFFFE00  }
0x19e: {  	_ =	sfence.sel $0x180000  }
0x19f: {  	[bflag:$0x0] =	sbarrier.arrive $0xFFFF  }
0x1a0: {  	_ =	strace $0x90000047  }
0x1a1: {  	s0 =	stileid.u32;
	[bflag:$0x2] =	sbarrier.arrive $0xFFFF  }
0x1a2: {  	p0 =	sne.s32 s0, $0x0;
	s0 =	rddreg [dreg:$0x4]  }
0x1a3: {  	s0 =	sadd.s32 @!p0 $0x100000, s0  }
0x1a4: {  	[sflag:s0] =	ssyncadd.tile.s32 @!p0 $0x1;
	_ =	shalt  }
.Lfunc_end2:
_tile_overlayer_lowered:
.L_overlay_start_2:
0x1a5: {  	(tag) =	ssettag $0x2  }
0x1a6: {  	s0 =	rddreg [dreg:$0x0];
	s2 =	stileid.u32  }
0x1a7: {  	s1 =	rddreg [dreg:$0x1];
	p0 =	sne.s32 s2, $0x0  }
0x1a8: {  	s3 =	rddreg [dreg:$0x2];
	[bflag:$0x3] =	sbarrier.arrive $0xFFFF;
	s2 =	simm.s32 @!p0 $0x1C03  }
0x1a9: {  	[timem:s3], [sflag:s2] =	dma.local @!p0 [hbm:s0], s1  }
0x1aa: {  	s0 =	simm.s32 @!p0 $0x3  }
0x1ab: {  	_ =	swait.ge @!p0 [sflag:s0], s1  }
0x1ac: {  	s1 =	ssub.s32 @!p0 $0x0, s1;
	[sflag:s0] =	ssyncset.done @!p0 $0x0  }
0x1ad: {  	[sflag:s0] =	ssyncadd.s32 @!p0 s1  }
0x1ae: {  	[bflag:$0x3] =	sbarrier.arrive $0xFFFF  }
0x1af: {  	_ =	shalt  }

</sc_bundles>
